<compile_context>
chip_gen: v7x
topology: tpu7x:2x2x1
jax: 0.10.2.dev20260603
libtpu: 0.0.44.dev20260713+nightly
codegen_flags: <defaults>
</compile_context>

<pallas_src>
import functools

import jax
import jax.numpy as jnp
from jax import lax
from jax.experimental import pallas as pl
from jax.experimental.pallas import tpu as pltpu
from jax.experimental.pallas import tpu_sc as plsc

_NUM_CORES = 2
_NUM_SUBCORES = 16
_NUM_WORKERS = _NUM_CORES * _NUM_SUBCORES
_LANES = 16


@functools.cache
def _make_gather(num_rows: int, dim: int, seq: int, batch: int):
    bb = batch // _NUM_WORKERS
    assert bb % 128 == 0 and seq % 2 == 0
    mesh = plsc.VectorSubcoreMesh(
        core_axis_name="c",
        subcore_axis_name="s",
        num_cores=_NUM_CORES,
        num_subcores=_NUM_SUBCORES,
    )

    @functools.partial(
        pl.kernel,
        out_type=jax.ShapeDtypeStruct((seq, dim, batch), jnp.float32),
        mesh=mesh,
        compiler_params=pltpu.CompilerParams(
            use_tc_tiling_on_sc=False, needs_layout_passes=False
        ),
        scratch_types=[
            pltpu.VMEM((seq, bb), jnp.int32),
            pltpu.VMEM((2, bb, dim), jnp.float32),
            pltpu.VMEM((2, dim, bb + 1), jnp.float32),
            pltpu.SemaphoreType.DMA,
            pltpu.SemaphoreType.DMA,
        ],
    )
    def gather_kernel(tokt_hbm, w_hbm, out_hbm, idx_v, rows_v, trans_v,
                      gsem, osem):
        wid = lax.axis_index("s") * _NUM_CORES + lax.axis_index("c")
        b0 = pl.multiple_of(wid * bb, bb)
        pltpu.sync_copy(tokt_hbm.at[:, pl.ds(b0, bb)], idx_v)

        def start_gather(s, slot):
            pltpu.async_copy(w_hbm.at[idx_v.at[s]], rows_v.at[slot], gsem)

        def wait_gather(s, slot):
            pltpu.make_async_copy(
                w_hbm.at[idx_v.at[s]], rows_v.at[slot], gsem
            ).wait()

        def start_write(s, slot):
            pltpu.async_copy(
                trans_v.at[slot, :, pl.ds(0, bb)],
                out_hbm.at[s, :, pl.ds(b0, bb)],
                osem,
            )

        def wait_write(s, slot):
            pltpu.make_async_copy(
                trans_v.at[slot, :, pl.ds(0, bb)],
                out_hbm.at[s, :, pl.ds(b0, bb)],
                osem,
            ).wait()

        def transpose_chunk(slot):
            src = rows_v.at[slot]
            dst = trans_v.at[slot]

            @plsc.parallel_loop(0, bb, step=1, unroll=8)
            def _t(r):
                kidx = jnp.full((_LANES,), r, jnp.int32)
                for h in range(dim // _LANES):
                    cidx = h * _LANES + lax.iota(jnp.int32, _LANES)
                    vals = src[r, pl.ds(h * _LANES, _LANES)]
                    plsc.store_scatter(dst, [cidx, kidx], vals)

        start_gather(0, 0)

        @pl.loop(0, seq, step=2)
        def _chunk_loop(s0):
            for b in range(2):
                s = s0 + b
                wait_gather(s, b)

                @pl.when(s + 1 < seq)
                def _():
                    start_gather(s + 1, 1 - b)

                @pl.when(s >= 1)
                def _():
                    wait_write(s - 1, 1 - b)

                transpose_chunk(b)
                start_write(s, b)

        wait_write(seq - 1, (seq - 1) % 2)

    return gather_kernel


def kernel(token_ids, weight):
    b, s = token_ids.shape
    num_rows, dim = weight.shape
    tokt = token_ids.T.astype(jnp.int32)
    out3 = _make_gather(num_rows, dim, s, b)(tokt, weight)
    return jnp.transpose(out3, (2, 0, 1))

# --- scband reference (transcript-rebuilt; emitter-appended) ---
"""Pipeline reference for scband-embedding-36275293782757 (READ-ONLY COPY).

The authoritative reference and input builder live on the scoring server;
editing this copy changes nothing except your own understanding.
"""

import jax, jax.numpy as jnp
import numpy as np

NUM_EMBEDDINGS = 1000000
EMBEDDING_DIM = 32

def setup_inputs(seed: int = 0) -> dict:
    key = jax.random.key(seed)
    k_idx, k_w = jax.random.split(key)
    token_ids = jax.random.randint(k_idx, (16384, 50), 0, NUM_EMBEDDINGS, dtype=jnp.int64) if jax.config.jax_enable_x64 else jax.random.randint(k_idx, (16384, 50), 0, NUM_EMBEDDINGS, dtype=jnp.int32)
    # trunc_normal_(mean=0, std=1.0, a=-3, b=3)
    weight = jax.random.truncated_normal(k_w, -3.0, 3.0, (NUM_EMBEDDINGS, EMBEDDING_DIM), dtype=jnp.float32)
    return {"token_ids": token_ids, "weight": weight}

def reference(token_ids, weight):
    # Faithful translation of: return self.weight[token_ids]
    return jnp.take(weight, token_ids, axis=0)

if __name__ == "__main__":
    import jax
    _d = setup_inputs()
    print(jax.jit(kernel)(*tuple(_d.values())))

</pallas_src>

<mosaic_0001>
#map = affine_map<(d0, d1) -> (0, 0)>
#map1 = affine_map<(d0, d1) -> (0, 0, 0)>
module attributes {stable_mosaic.version = 14 : i64} {
  func.func @gather_kernel(%arg0: i32, %arg1: i32, %arg2: memref<50x16384xi32, #tpu.memory_space<hbm>>, %arg3: memref<1000000x32xf32, #tpu.memory_space<hbm>>, %arg4: memref<50x32x16384xf32, #tpu.memory_space<hbm>>, %arg5: memref<50x512xi32, #tpu.memory_space<vmem>>, %arg6: memref<2x512x32xf32, #tpu.memory_space<vmem>>, %arg7: memref<2x32x513xf32, #tpu.memory_space<vmem>>, %arg8: memref<!tpu.dma_semaphore, #tpu.memory_space<semaphore_mem>>, %arg9: memref<!tpu.dma_semaphore, #tpu.memory_space<semaphore_mem>>) attributes {dimension_semantics = [#tpu.dimension_semantics<core_parallel>, #tpu.dimension_semantics<subcore_parallel>], iteration_bounds = array<i64: 2, 16>, scalar_prefetch = 0 : i64, scratch_operands = 5 : i64, tpu.core_type = #tpu.core_type<sc_vector_subcore>, window_params = [{transform_indices = #map}, {transform_indices = #map}, {transform_indices = #map1}]} {
    %mul3A = arith.constant 2 : i32
    %mul3A_0 = arith.muli %arg1, %mul3A : i32
    %add3A = arith.addi %mul3A_0, %arg0 : i32
    %mul3A_1 = arith.constant 512 : i32
    %mul3A_2 = arith.muli %add3A, %mul3A_1 : i32
    %multiple_of3A = tpu.assume_multiple %mul3A_2, 512 : i32
    "tpu.region"() ({
      %run_scoped3A = tpu.sem_alloc : memref<!tpu.dma_semaphore, #tpu.memory_space<semaphore_mem>>
      %dma_start3A_33 = arith.constant 0 : i32
      %dma_start3A_34 = tpu.memref_slice %arg2[%dma_start3A_33, %multiple_of3A] : memref<50x16384xi32, #tpu.memory_space<hbm>> -> memref<50x512xi32, #tpu.memory_space<hbm>>
      %dma_start3A_35 = arith.constant 0 : i32
      %dma_start3A_36 = tpu.memref_slice %arg2[%dma_start3A_35, %multiple_of3A] : memref<50x16384xi32, #tpu.memory_space<hbm>> -> memref<50x512xi32, #tpu.memory_space<hbm>>
      tpu.enqueue_dma source(%dma_start3A_36 : memref<50x512xi32, #tpu.memory_space<hbm>>) target(%arg5 : memref<50x512xi32, #tpu.memory_space<vmem>>) target_semaphore(%run_scoped3A : memref<!tpu.dma_semaphore, #tpu.memory_space<semaphore_mem>>)
      %dma_wait3A_37 = arith.constant 0 : i32
      %dma_wait3A_38 = tpu.memref_slice %arg2[%dma_wait3A_37, %multiple_of3A] : memref<50x16384xi32, #tpu.memory_space<hbm>> -> memref<50x512xi32, #tpu.memory_space<hbm>>
      %dma_wait3A_39 = arith.constant 0 : i32
      %dma_wait3A_40 = tpu.memref_slice %arg2[%dma_wait3A_39, %multiple_of3A] : memref<50x16384xi32, #tpu.memory_space<hbm>> -> memref<50x512xi32, #tpu.memory_space<hbm>>
      tpu.wait_dma2 semaphore(%run_scoped3A : memref<!tpu.dma_semaphore, #tpu.memory_space<semaphore_mem>>) src(%dma_wait3A_40 : memref<50x512xi32, #tpu.memory_space<hbm>>) dst(%arg5 : memref<50x512xi32, #tpu.memory_space<vmem>>)
      tpu.yield
    }) : () -> ()
    %dma_start3A = arith.constant 0 : i32
    %dma_start3A_3 = arith.constant 0 : i32
    %dma_start3A_4 = arith.constant 0 : i32
    %dma_start3A_5 = arith.constant 0 : i32
    %dma_start3A_6 = tpu.memref_slice %arg6[%dma_start3A_3, %dma_start3A_4, %dma_start3A_5] : memref<2x512x32xf32, #tpu.memory_space<vmem>> -> memref<1x512x32xf32, #tpu.memory_space<vmem>>
    %dma_start3A_7 = tpu.memref_squeeze %dma_start3A_6 : memref<1x512x32xf32, #tpu.memory_space<vmem>> -> memref<512x32xf32, #tpu.memory_space<vmem>>
    %dma_start3A_8 = arith.constant 0 : i32
    %dma_start3A_9 = tpu.memref_slice %arg5[%dma_start3A, %dma_start3A_8] : memref<50x512xi32, #tpu.memory_space<vmem>> -> memref<1x512xi32, #tpu.memory_space<vmem>>
    %dma_start3A_10 = tpu.memref_squeeze %dma_start3A_9 : memref<1x512xi32, #tpu.memory_space<vmem>> -> memref<512xi32, #tpu.memory_space<vmem>>
    %dma_start3A_11 = arith.constant 0 : i32
    %dma_start3A_12 = arith.constant 0 : i32
    %dma_start3A_13 = tpu.memref_slice %arg3[%dma_start3A_11, %dma_start3A_12] : memref<1000000x32xf32, #tpu.memory_space<hbm>> -> memref<1000000x32xf32, #tpu.memory_space<hbm>>
    tpu.enqueue_indirect_dma source(%dma_start3A_13 : memref<1000000x32xf32, #tpu.memory_space<hbm>>) target(%dma_start3A_7 : memref<512x32xf32, #tpu.memory_space<vmem>>) offsets(%dma_start3A_10 : memref<512xi32, #tpu.memory_space<vmem>>) semaphore(%arg8 : memref<!tpu.dma_semaphore, #tpu.memory_space<semaphore_mem>>)
    %scan3A = arith.constant 0 : i32
    %scan3A_14 = arith.constant 25 : i32
    %scan3A_15 = arith.addi %scan3A, %scan3A_14 : i32
    %scan3A_16 = arith.constant 1 : i32
    scf.for %scan3A_33 = %scan3A to %scan3A_15 step %scan3A_16  : i32 {
      %mul3A_34 = arith.constant 2 : i32
      %mul3A_35 = arith.muli %scan3A_33, %mul3A_34 : i32
      %add3A_36 = arith.constant 0 : i32
      %add3A_37 = arith.addi %add3A_36, %mul3A_35 : i32
      %add3A_38 = arith.constant 0 : i32
      %add3A_39 = arith.addi %add3A_37, %add3A_38 : i32
      %dma_wait3A_40 = arith.constant 0 : i32
      %dma_wait3A_41 = arith.constant 0 : i32
      %dma_wait3A_42 = arith.constant 0 : i32
      %dma_wait3A_43 = tpu.memref_slice %arg6[%dma_wait3A_40, %dma_wait3A_41, %dma_wait3A_42] : memref<2x512x32xf32, #tpu.memory_space<vmem>> -> memref<1x512x32xf32, #tpu.memory_space<vmem>>
      %dma_wait3A_44 = tpu.memref_squeeze %dma_wait3A_43 : memref<1x512x32xf32, #tpu.memory_space<vmem>> -> memref<512x32xf32, #tpu.memory_space<vmem>>
      %dma_wait3A_45 = arith.constant 0 : i32
      %dma_wait3A_46 = tpu.memref_slice %arg5[%add3A_39, %dma_wait3A_45] : memref<50x512xi32, #tpu.memory_space<vmem>> -> memref<1x512xi32, #tpu.memory_space<vmem>>
      %dma_wait3A_47 = tpu.memref_squeeze %dma_wait3A_46 : memref<1x512xi32, #tpu.memory_space<vmem>> -> memref<512xi32, #tpu.memory_space<vmem>>
      %dma_wait3A_48 = arith.constant 0 : i32
      %dma_wait3A_49 = arith.constant 0 : i32
      %dma_wait3A_50 = tpu.memref_slice %arg3[%dma_wait3A_48, %dma_wait3A_49] : memref<1000000x32xf32, #tpu.memory_space<hbm>> -> memref<1000000x32xf32, #tpu.memory_space<hbm>>
      tpu.wait_indirect_dma semaphore(%arg8 : memref<!tpu.dma_semaphore, #tpu.memory_space<semaphore_mem>>) src(%dma_wait3A_50 : memref<1000000x32xf32, #tpu.memory_space<hbm>>) dst(%dma_wait3A_44 : memref<512x32xf32, #tpu.memory_space<vmem>>)
      %add3A_51 = arith.constant 1 : i32
      %add3A_52 = arith.addi %add3A_39, %add3A_51 : i32
      %lt3A = arith.constant 50 : i32
      %lt3A_53 = arith.cmpi slt, %add3A_52, %lt3A : i32
      %convert_element_type3A = arith.extui %lt3A_53 : i1 to i32
      %cond3A = arith.constant 0 : i32
      %cond3A_54 = arith.cmpi ne, %convert_element_type3A, %cond3A : i32
      scf.if %cond3A_54 {
        %add3A_123 = arith.constant 1 : i32
        %add3A_124 = arith.addi %add3A_39, %add3A_123 : i32
        %dma_start3A_125 = arith.constant 1 : i32
        %dma_start3A_126 = arith.constant 0 : i32
        %dma_start3A_127 = arith.constant 0 : i32
        %dma_start3A_128 = tpu.memref_slice %arg6[%dma_start3A_125, %dma_start3A_126, %dma_start3A_127] : memref<2x512x32xf32, #tpu.memory_space<vmem>> -> memref<1x512x32xf32, #tpu.memory_space<vmem>>
        %dma_start3A_129 = tpu.memref_squeeze %dma_start3A_128 : memref<1x512x32xf32, #tpu.memory_space<vmem>> -> memref<512x32xf32, #tpu.memory_space<vmem>>
        %dma_start3A_130 = arith.constant 0 : i32
        %dma_start3A_131 = tpu.memref_slice %arg5[%add3A_124, %dma_start3A_130] : memref<50x512xi32, #tpu.memory_space<vmem>> -> memref<1x512xi32, #tpu.memory_space<vmem>>
        %dma_start3A_132 = tpu.memref_squeeze %dma_start3A_131 : memref<1x512xi32, #tpu.memory_space<vmem>> -> memref<512xi32, #tpu.memory_space<vmem>>
        %dma_start3A_133 = arith.constant 0 : i32
        %dma_start3A_134 = arith.constant 0 : i32
        %dma_start3A_135 = tpu.memref_slice %arg3[%dma_start3A_133, %dma_start3A_134] : memref<1000000x32xf32, #tpu.memory_space<hbm>> -> memref<1000000x32xf32, #tpu.memory_space<hbm>>
        tpu.enqueue_indirect_dma source(%dma_start3A_135 : memref<1000000x32xf32, #tpu.memory_space<hbm>>) target(%dma_start3A_129 : memref<512x32xf32, #tpu.memory_space<vmem>>) offsets(%dma_start3A_132 : memref<512xi32, #tpu.memory_space<vmem>>) semaphore(%arg8 : memref<!tpu.dma_semaphore, #tpu.memory_space<semaphore_mem>>)
      } else {
      }
      %ge3A = arith.constant 1 : i32
      %ge3A_55 = arith.cmpi sge, %add3A_39, %ge3A : i32
      %convert_element_type3A_56 = arith.extui %ge3A_55 : i1 to i32
      %cond3A_57 = arith.constant 0 : i32
      %cond3A_58 = arith.cmpi ne, %convert_element_type3A_56, %cond3A_57 : i32
      scf.if %cond3A_58 {
        %sub3A = arith.constant 1 : i32
        %sub3A_123 = arith.subi %add3A_39, %sub3A : i32
        %dma_wait3A_124 = arith.constant 1 : i32
        %dma_wait3A_125 = arith.constant 0 : i32
        %dma_wait3A_126 = arith.constant 0 : i32
        %dma_wait3A_127 = tpu.memref_slice %arg7[%dma_wait3A_124, %dma_wait3A_125, %dma_wait3A_126] : memref<2x32x513xf32, #tpu.memory_space<vmem>> -> memref<1x32x512xf32, #tpu.memory_space<vmem>>
        %dma_wait3A_128 = tpu.memref_squeeze %dma_wait3A_127 : memref<1x32x512xf32, #tpu.memory_space<vmem>> -> memref<32x512xf32, #tpu.memory_space<vmem>>
        %dma_wait3A_129 = arith.constant 0 : i32
        %dma_wait3A_130 = tpu.memref_slice %arg4[%sub3A_123, %dma_wait3A_129, %multiple_of3A] : memref<50x32x16384xf32, #tpu.memory_space<hbm>> -> memref<1x32x512xf32, #tpu.memory_space<hbm>>
        %dma_wait3A_131 = tpu.memref_squeeze %dma_wait3A_130 : memref<1x32x512xf32, #tpu.memory_space<hbm>> -> memref<32x512xf32, #tpu.memory_space<hbm>>
        %dma_wait3A_132 = arith.constant 0 : i32
        %dma_wait3A_133 = tpu.memref_slice %arg4[%sub3A_123, %dma_wait3A_132, %multiple_of3A] : memref<50x32x16384xf32, #tpu.memory_space<hbm>> -> memref<1x32x512xf32, #tpu.memory_space<hbm>>
        %dma_wait3A_134 = tpu.memref_squeeze %dma_wait3A_133 : memref<1x32x512xf32, #tpu.memory_space<hbm>> -> memref<32x512xf32, #tpu.memory_space<hbm>>
        %dma_wait3A_135 = arith.constant 0 : i32
        %dma_wait3A_136 = arith.constant 0 : i32
        %dma_wait3A_137 = tpu.memref_slice %arg7[%dma_wait3A_124, %dma_wait3A_135, %dma_wait3A_136] : memref<2x32x513xf32, #tpu.memory_space<vmem>> -> memref<1x32x512xf32, #tpu.memory_space<vmem>>
        %dma_wait3A_138 = tpu.memref_squeeze %dma_wait3A_137 : memref<1x32x512xf32, #tpu.memory_space<vmem>> -> memref<32x512xf32, #tpu.memory_space<vmem>>
        tpu.wait_dma2 semaphore(%arg9 : memref<!tpu.dma_semaphore, #tpu.memory_space<semaphore_mem>>) src(%dma_wait3A_138 : memref<32x512xf32, #tpu.memory_space<vmem>>) dst(%dma_wait3A_134 : memref<32x512xf32, #tpu.memory_space<hbm>>)
      } else {
      }
      %parallel_loop3A = arith.constant 0 : i32
      %parallel_loop3A_59 = arith.constant 512 : i32
      %parallel_loop3A_60 = arith.constant 1 : i32
      %parallel_loop3A_61 = arith.constant 0 : i32
      %parallel_loop3A_62 = arith.constant 0 : i32
      scf.for %parallel_loop3A_123 = %parallel_loop3A to %parallel_loop3A_59 step %parallel_loop3A_60  : i32 {
        %parallel_loop3A_124 = vector.broadcast %parallel_loop3A_123 : i32 to vector<16xi32>
        %parallel_loop3A_125 = tpu.iota {dimensions = array<i32: 0>} : vector<16xi32>
        %parallel_loop3A_126 = arith.constant 0 : i32
        %parallel_loop3A_127 = vector.broadcast %parallel_loop3A_126 : i32 to vector<16xi32>
        %parallel_loop3A_128 = arith.addi %parallel_loop3A_127, %parallel_loop3A_125 : vector<16xi32>
        %parallel_loop3A_129 = arith.constant 0 : i32
        %parallel_loop3A_130 = arith.constant 0 : i32
        %parallel_loop3A_131 = tpu.memref_slice %arg6[%parallel_loop3A_61, %parallel_loop3A_129, %parallel_loop3A_130] : memref<2x512x32xf32, #tpu.memory_space<vmem>> -> memref<1x512x32xf32, #tpu.memory_space<vmem>>
        %parallel_loop3A_132 = tpu.memref_squeeze %parallel_loop3A_131 : memref<1x512x32xf32, #tpu.memory_space<vmem>> -> memref<512x32xf32, #tpu.memory_space<vmem>>
        %parallel_loop3A_133 = arith.index_cast %parallel_loop3A_123 : i32 to index
        %parallel_loop3A_134 = arith.constant 0 : index
        %parallel_loop3A_135 = tpu.vector_load %parallel_loop3A_132[%parallel_loop3A_133, %parallel_loop3A_134] {strides = array<i32>} : memref<512x32xf32, #tpu.memory_space<vmem>>, vector<16xf32>,
        %parallel_loop3A_136 = arith.constant 0 : i32
        %parallel_loop3A_137 = arith.constant 0 : i32
        %parallel_loop3A_138 = tpu.memref_slice %arg7[%parallel_loop3A_62, %parallel_loop3A_136, %parallel_loop3A_137] : memref<2x32x513xf32, #tpu.memory_space<vmem>> -> memref<1x32x513xf32, #tpu.memory_space<vmem>>
        %parallel_loop3A_139 = tpu.memref_squeeze %parallel_loop3A_138 : memref<1x32x513xf32, #tpu.memory_space<vmem>> -> memref<32x513xf32, #tpu.memory_space<vmem>>
        tpu.vector_store_idx %parallel_loop3A_139[%parallel_loop3A_128, %parallel_loop3A_124], %parallel_loop3A_135 : memref<32x513xf32, #tpu.memory_space<vmem>>[vector<16xi32>, vector<16xi32>], vector<16xf32>,
        %parallel_loop3A_140 = tpu.iota {dimensions = array<i32: 0>} : vector<16xi32>
        %parallel_loop3A_141 = arith.constant 16 : i32
        %parallel_loop3A_142 = vector.broadcast %parallel_loop3A_141 : i32 to vector<16xi32>
        %parallel_loop3A_143 = arith.addi %parallel_loop3A_142, %parallel_loop3A_140 : vector<16xi32>
        %parallel_loop3A_144 = arith.constant 0 : i32
        %parallel_loop3A_145 = arith.constant 0 : i32
        %parallel_loop3A_146 = tpu.memref_slice %arg6[%parallel_loop3A_61, %parallel_loop3A_144, %parallel_loop3A_145] : memref<2x512x32xf32, #tpu.memory_space<vmem>> -> memref<1x512x32xf32, #tpu.memory_space<vmem>>
        %parallel_loop3A_147 = tpu.memref_squeeze %parallel_loop3A_146 : memref<1x512x32xf32, #tpu.memory_space<vmem>> -> memref<512x32xf32, #tpu.memory_space<vmem>>
        %parallel_loop3A_148 = arith.index_cast %parallel_loop3A_123 : i32 to index
        %parallel_loop3A_149 = arith.constant 16 : index
        %parallel_loop3A_150 = tpu.vector_load %parallel_loop3A_147[%parallel_loop3A_148, %parallel_loop3A_149] {strides = array<i32>} : memref<512x32xf32, #tpu.memory_space<vmem>>, vector<16xf32>,
        %parallel_loop3A_151 = arith.constant 0 : i32
        %parallel_loop3A_152 = arith.constant 0 : i32
        %parallel_loop3A_153 = tpu.memref_slice %arg7[%parallel_loop3A_62, %parallel_loop3A_151, %parallel_loop3A_152] : memref<2x32x513xf32, #tpu.memory_space<vmem>> -> memref<1x32x513xf32, #tpu.memory_space<vmem>>
        %parallel_loop3A_154 = tpu.memref_squeeze %parallel_loop3A_153 : memref<1x32x513xf32, #tpu.memory_space<vmem>> -> memref<32x513xf32, #tpu.memory_space<vmem>>
        tpu.vector_store_idx %parallel_loop3A_154[%parallel_loop3A_143, %parallel_loop3A_124], %parallel_loop3A_150 : memref<32x513xf32, #tpu.memory_space<vmem>>[vector<16xi32>, vector<16xi32>], vector<16xf32>,
      } {sc.loop_unroll_factor = 8 : i64, sc.parallel_access}
      %dma_start3A_63 = arith.constant 0 : i32
      %dma_start3A_64 = arith.constant 0 : i32
      %dma_start3A_65 = arith.constant 0 : i32
      %dma_start3A_66 = tpu.memref_slice %arg7[%dma_start3A_63, %dma_start3A_64, %dma_start3A_65] : memref<2x32x513xf32, #tpu.memory_space<vmem>> -> memref<1x32x512xf32, #tpu.memory_space<vmem>>
      %dma_start3A_67 = tpu.memref_squeeze %dma_start3A_66 : memref<1x32x512xf32, #tpu.memory_space<vmem>> -> memref<32x512xf32, #tpu.memory_space<vmem>>
      %dma_start3A_68 = arith.constant 0 : i32
      %dma_start3A_69 = tpu.memref_slice %arg4[%add3A_39, %dma_start3A_68, %multiple_of3A] : memref<50x32x16384xf32, #tpu.memory_space<hbm>> -> memref<1x32x512xf32, #tpu.memory_space<hbm>>
      %dma_start3A_70 = tpu.memref_squeeze %dma_start3A_69 : memref<1x32x512xf32, #tpu.memory_space<hbm>> -> memref<32x512xf32, #tpu.memory_space<hbm>>
      %dma_start3A_71 = arith.constant 0 : i32
      %dma_start3A_72 = tpu.memref_slice %arg4[%add3A_39, %dma_start3A_71, %multiple_of3A] : memref<50x32x16384xf32, #tpu.memory_space<hbm>> -> memref<1x32x512xf32, #tpu.memory_space<hbm>>
      %dma_start3A_73 = tpu.memref_squeeze %dma_start3A_72 : memref<1x32x512xf32, #tpu.memory_space<hbm>> -> memref<32x512xf32, #tpu.memory_space<hbm>>
      %dma_start3A_74 = arith.constant 0 : i32
      %dma_start3A_75 = arith.constant 0 : i32
      %dma_start3A_76 = tpu.memref_slice %arg7[%dma_start3A_63, %dma_start3A_74, %dma_start3A_75] : memref<2x32x513xf32, #tpu.memory_space<vmem>> -> memref<1x32x512xf32, #tpu.memory_space<vmem>>
      %dma_start3A_77 = tpu.memref_squeeze %dma_start3A_76 : memref<1x32x512xf32, #tpu.memory_space<vmem>> -> memref<32x512xf32, #tpu.memory_space<vmem>>
      tpu.enqueue_dma source(%dma_start3A_77 : memref<32x512xf32, #tpu.memory_space<vmem>>) target(%dma_start3A_73 : memref<32x512xf32, #tpu.memory_space<hbm>>) target_semaphore(%arg9 : memref<!tpu.dma_semaphore, #tpu.memory_space<semaphore_mem>>)
      %add3A_78 = arith.constant 1 : i32
      %add3A_79 = arith.addi %add3A_37, %add3A_78 : i32
      %dma_wait3A_80 = arith.constant 1 : i32
      %dma_wait3A_81 = arith.constant 0 : i32
      %dma_wait3A_82 = arith.constant 0 : i32
      %dma_wait3A_83 = tpu.memref_slice %arg6[%dma_wait3A_80, %dma_wait3A_81, %dma_wait3A_82] : memref<2x512x32xf32, #tpu.memory_space<vmem>> -> memref<1x512x32xf32, #tpu.memory_space<vmem>>
      %dma_wait3A_84 = tpu.memref_squeeze %dma_wait3A_83 : memref<1x512x32xf32, #tpu.memory_space<vmem>> -> memref<512x32xf32, #tpu.memory_space<vmem>>
      %dma_wait3A_85 = arith.constant 0 : i32
      %dma_wait3A_86 = tpu.memref_slice %arg5[%add3A_79, %dma_wait3A_85] : memref<50x512xi32, #tpu.memory_space<vmem>> -> memref<1x512xi32, #tpu.memory_space<vmem>>
      %dma_wait3A_87 = tpu.memref_squeeze %dma_wait3A_86 : memref<1x512xi32, #tpu.memory_space<vmem>> -> memref<512xi32, #tpu.memory_space<vmem>>
      %dma_wait3A_88 = arith.constant 0 : i32
      %dma_wait3A_89 = arith.constant 0 : i32
      %dma_wait3A_90 = tpu.memref_slice %arg3[%dma_wait3A_88, %dma_wait3A_89] : memref<1000000x32xf32, #tpu.memory_space<hbm>> -> memref<1000000x32xf32, #tpu.memory_space<hbm>>
      tpu.wait_indirect_dma semaphore(%arg8 : memref<!tpu.dma_semaphore, #tpu.memory_space<semaphore_mem>>) src(%dma_wait3A_90 : memref<1000000x32xf32, #tpu.memory_space<hbm>>) dst(%dma_wait3A_84 : memref<512x32xf32, #tpu.memory_space<vmem>>)
      %add3A_91 = arith.constant 1 : i32
      %add3A_92 = arith.addi %add3A_79, %add3A_91 : i32
      %lt3A_93 = arith.constant 50 : i32
      %lt3A_94 = arith.cmpi slt, %add3A_92, %lt3A_93 : i32
      %convert_element_type3A_95 = arith.extui %lt3A_94 : i1 to i32
      %cond3A_96 = arith.constant 0 : i32
      %cond3A_97 = arith.cmpi ne, %convert_element_type3A_95, %cond3A_96 : i32
      scf.if %cond3A_97 {
        %add3A_123 = arith.constant 1 : i32
        %add3A_124 = arith.addi %add3A_79, %add3A_123 : i32
        %dma_start3A_125 = arith.constant 0 : i32
        %dma_start3A_126 = arith.constant 0 : i32
        %dma_start3A_127 = arith.constant 0 : i32
        %dma_start3A_128 = tpu.memref_slice %arg6[%dma_start3A_125, %dma_start3A_126, %dma_start3A_127] : memref<2x512x32xf32, #tpu.memory_space<vmem>> -> memref<1x512x32xf32, #tpu.memory_space<vmem>>
        %dma_start3A_129 = tpu.memref_squeeze %dma_start3A_128 : memref<1x512x32xf32, #tpu.memory_space<vmem>> -> memref<512x32xf32, #tpu.memory_space<vmem>>
        %dma_start3A_130 = arith.constant 0 : i32
        %dma_start3A_131 = tpu.memref_slice %arg5[%add3A_124, %dma_start3A_130] : memref<50x512xi32, #tpu.memory_space<vmem>> -> memref<1x512xi32, #tpu.memory_space<vmem>>
        %dma_start3A_132 = tpu.memref_squeeze %dma_start3A_131 : memref<1x512xi32, #tpu.memory_space<vmem>> -> memref<512xi32, #tpu.memory_space<vmem>>
        %dma_start3A_133 = arith.constant 0 : i32
        %dma_start3A_134 = arith.constant 0 : i32
        %dma_start3A_135 = tpu.memref_slice %arg3[%dma_start3A_133, %dma_start3A_134] : memref<1000000x32xf32, #tpu.memory_space<hbm>> -> memref<1000000x32xf32, #tpu.memory_space<hbm>>
        tpu.enqueue_indirect_dma source(%dma_start3A_135 : memref<1000000x32xf32, #tpu.memory_space<hbm>>) target(%dma_start3A_129 : memref<512x32xf32, #tpu.memory_space<vmem>>) offsets(%dma_start3A_132 : memref<512xi32, #tpu.memory_space<vmem>>) semaphore(%arg8 : memref<!tpu.dma_semaphore, #tpu.memory_space<semaphore_mem>>)
      } else {
      }
      %ge3A_98 = arith.constant 1 : i32
      %ge3A_99 = arith.cmpi sge, %add3A_79, %ge3A_98 : i32
      %convert_element_type3A_100 = arith.extui %ge3A_99 : i1 to i32
      %cond3A_101 = arith.constant 0 : i32
      %cond3A_102 = arith.cmpi ne, %convert_element_type3A_100, %cond3A_101 : i32
      scf.if %cond3A_102 {
        %sub3A = arith.constant 1 : i32
        %sub3A_123 = arith.subi %add3A_79, %sub3A : i32
        %dma_wait3A_124 = arith.constant 0 : i32
        %dma_wait3A_125 = arith.constant 0 : i32
        %dma_wait3A_126 = arith.constant 0 : i32
        %dma_wait3A_127 = tpu.memref_slice %arg7[%dma_wait3A_124, %dma_wait3A_125, %dma_wait3A_126] : memref<2x32x513xf32, #tpu.memory_space<vmem>> -> memref<1x32x512xf32, #tpu.memory_space<vmem>>
        %dma_wait3A_128 = tpu.memref_squeeze %dma_wait3A_127 : memref<1x32x512xf32, #tpu.memory_space<vmem>> -> memref<32x512xf32, #tpu.memory_space<vmem>>
        %dma_wait3A_129 = arith.constant 0 : i32
        %dma_wait3A_130 = tpu.memref_slice %arg4[%sub3A_123, %dma_wait3A_129, %multiple_of3A] : memref<50x32x16384xf32, #tpu.memory_space<hbm>> -> memref<1x32x512xf32, #tpu.memory_space<hbm>>
        %dma_wait3A_131 = tpu.memref_squeeze %dma_wait3A_130 : memref<1x32x512xf32, #tpu.memory_space<hbm>> -> memref<32x512xf32, #tpu.memory_space<hbm>>
        %dma_wait3A_132 = arith.constant 0 : i32
        %dma_wait3A_133 = tpu.memref_slice %arg4[%sub3A_123, %dma_wait3A_132, %multiple_of3A] : memref<50x32x16384xf32, #tpu.memory_space<hbm>> -> memref<1x32x512xf32, #tpu.memory_space<hbm>>
        %dma_wait3A_134 = tpu.memref_squeeze %dma_wait3A_133 : memref<1x32x512xf32, #tpu.memory_space<hbm>> -> memref<32x512xf32, #tpu.memory_space<hbm>>
        %dma_wait3A_135 = arith.constant 0 : i32
        %dma_wait3A_136 = arith.constant 0 : i32
        %dma_wait3A_137 = tpu.memref_slice %arg7[%dma_wait3A_124, %dma_wait3A_135, %dma_wait3A_136] : memref<2x32x513xf32, #tpu.memory_space<vmem>> -> memref<1x32x512xf32, #tpu.memory_space<vmem>>
        %dma_wait3A_138 = tpu.memref_squeeze %dma_wait3A_137 : memref<1x32x512xf32, #tpu.memory_space<vmem>> -> memref<32x512xf32, #tpu.memory_space<vmem>>
        tpu.wait_dma2 semaphore(%arg9 : memref<!tpu.dma_semaphore, #tpu.memory_space<semaphore_mem>>) src(%dma_wait3A_138 : memref<32x512xf32, #tpu.memory_space<vmem>>) dst(%dma_wait3A_134 : memref<32x512xf32, #tpu.memory_space<hbm>>)
      } else {
      }
      %parallel_loop3A_103 = arith.constant 0 : i32
      %parallel_loop3A_104 = arith.constant 512 : i32
      %parallel_loop3A_105 = arith.constant 1 : i32
      %parallel_loop3A_106 = arith.constant 1 : i32
      %parallel_loop3A_107 = arith.constant 1 : i32
      scf.for %parallel_loop3A_123 = %parallel_loop3A_103 to %parallel_loop3A_104 step %parallel_loop3A_105  : i32 {
        %parallel_loop3A_124 = vector.broadcast %parallel_loop3A_123 : i32 to vector<16xi32>
        %parallel_loop3A_125 = tpu.iota {dimensions = array<i32: 0>} : vector<16xi32>
        %parallel_loop3A_126 = arith.constant 0 : i32
        %parallel_loop3A_127 = vector.broadcast %parallel_loop3A_126 : i32 to vector<16xi32>
        %parallel_loop3A_128 = arith.addi %parallel_loop3A_127, %parallel_loop3A_125 : vector<16xi32>
        %parallel_loop3A_129 = arith.constant 0 : i32
        %parallel_loop3A_130 = arith.constant 0 : i32
        %parallel_loop3A_131 = tpu.memref_slice %arg6[%parallel_loop3A_106, %parallel_loop3A_129, %parallel_loop3A_130] : memref<2x512x32xf32, #tpu.memory_space<vmem>> -> memref<1x512x32xf32, #tpu.memory_space<vmem>>
        %parallel_loop3A_132 = tpu.memref_squeeze %parallel_loop3A_131 : memref<1x512x32xf32, #tpu.memory_space<vmem>> -> memref<512x32xf32, #tpu.memory_space<vmem>>
        %parallel_loop3A_133 = arith.index_cast %parallel_loop3A_123 : i32 to index
        %parallel_loop3A_134 = arith.constant 0 : index
        %parallel_loop3A_135 = tpu.vector_load %parallel_loop3A_132[%parallel_loop3A_133, %parallel_loop3A_134] {strides = array<i32>} : memref<512x32xf32, #tpu.memory_space<vmem>>, vector<16xf32>,
        %parallel_loop3A_136 = arith.constant 0 : i32
        %parallel_loop3A_137 = arith.constant 0 : i32
        %parallel_loop3A_138 = tpu.memref_slice %arg7[%parallel_loop3A_107, %parallel_loop3A_136, %parallel_loop3A_137] : memref<2x32x513xf32, #tpu.memory_space<vmem>> -> memref<1x32x513xf32, #tpu.memory_space<vmem>>
        %parallel_loop3A_139 = tpu.memref_squeeze %parallel_loop3A_138 : memref<1x32x513xf32, #tpu.memory_space<vmem>> -> memref<32x513xf32, #tpu.memory_space<vmem>>
        tpu.vector_store_idx %parallel_loop3A_139[%parallel_loop3A_128, %parallel_loop3A_124], %parallel_loop3A_135 : memref<32x513xf32, #tpu.memory_space<vmem>>[vector<16xi32>, vector<16xi32>], vector<16xf32>,
        %parallel_loop3A_140 = tpu.iota {dimensions = array<i32: 0>} : vector<16xi32>
        %parallel_loop3A_141 = arith.constant 16 : i32
        %parallel_loop3A_142 = vector.broadcast %parallel_loop3A_141 : i32 to vector<16xi32>
        %parallel_loop3A_143 = arith.addi %parallel_loop3A_142, %parallel_loop3A_140 : vector<16xi32>
        %parallel_loop3A_144 = arith.constant 0 : i32
        %parallel_loop3A_145 = arith.constant 0 : i32
        %parallel_loop3A_146 = tpu.memref_slice %arg6[%parallel_loop3A_106, %parallel_loop3A_144, %parallel_loop3A_145] : memref<2x512x32xf32, #tpu.memory_space<vmem>> -> memref<1x512x32xf32, #tpu.memory_space<vmem>>
        %parallel_loop3A_147 = tpu.memref_squeeze %parallel_loop3A_146 : memref<1x512x32xf32, #tpu.memory_space<vmem>> -> memref<512x32xf32, #tpu.memory_space<vmem>>
        %parallel_loop3A_148 = arith.index_cast %parallel_loop3A_123 : i32 to index
        %parallel_loop3A_149 = arith.constant 16 : index
        %parallel_loop3A_150 = tpu.vector_load %parallel_loop3A_147[%parallel_loop3A_148, %parallel_loop3A_149] {strides = array<i32>} : memref<512x32xf32, #tpu.memory_space<vmem>>, vector<16xf32>,
        %parallel_loop3A_151 = arith.constant 0 : i32
        %parallel_loop3A_152 = arith.constant 0 : i32
        %parallel_loop3A_153 = tpu.memref_slice %arg7[%parallel_loop3A_107, %parallel_loop3A_151, %parallel_loop3A_152] : memref<2x32x513xf32, #tpu.memory_space<vmem>> -> memref<1x32x513xf32, #tpu.memory_space<vmem>>
        %parallel_loop3A_154 = tpu.memref_squeeze %parallel_loop3A_153 : memref<1x32x513xf32, #tpu.memory_space<vmem>> -> memref<32x513xf32, #tpu.memory_space<vmem>>
        tpu.vector_store_idx %parallel_loop3A_154[%parallel_loop3A_143, %parallel_loop3A_124], %parallel_loop3A_150 : memref<32x513xf32, #tpu.memory_space<vmem>>[vector<16xi32>, vector<16xi32>], vector<16xf32>,
      } {sc.loop_unroll_factor = 8 : i64, sc.parallel_access}
      %dma_start3A_108 = arith.constant 1 : i32
      %dma_start3A_109 = arith.constant 0 : i32
      %dma_start3A_110 = arith.constant 0 : i32
      %dma_start3A_111 = tpu.memref_slice %arg7[%dma_start3A_108, %dma_start3A_109, %dma_start3A_110] : memref<2x32x513xf32, #tpu.memory_space<vmem>> -> memref<1x32x512xf32, #tpu.memory_space<vmem>>
      %dma_start3A_112 = tpu.memref_squeeze %dma_start3A_111 : memref<1x32x512xf32, #tpu.memory_space<vmem>> -> memref<32x512xf32, #tpu.memory_space<vmem>>
      %dma_start3A_113 = arith.constant 0 : i32
      %dma_start3A_114 = tpu.memref_slice %arg4[%add3A_79, %dma_start3A_113, %multiple_of3A] : memref<50x32x16384xf32, #tpu.memory_space<hbm>> -> memref<1x32x512xf32, #tpu.memory_space<hbm>>
      %dma_start3A_115 = tpu.memref_squeeze %dma_start3A_114 : memref<1x32x512xf32, #tpu.memory_space<hbm>> -> memref<32x512xf32, #tpu.memory_space<hbm>>
      %dma_start3A_116 = arith.constant 0 : i32
      %dma_start3A_117 = tpu.memref_slice %arg4[%add3A_79, %dma_start3A_116, %multiple_of3A] : memref<50x32x16384xf32, #tpu.memory_space<hbm>> -> memref<1x32x512xf32, #tpu.memory_space<hbm>>
      %dma_start3A_118 = tpu.memref_squeeze %dma_start3A_117 : memref<1x32x512xf32, #tpu.memory_space<hbm>> -> memref<32x512xf32, #tpu.memory_space<hbm>>
      %dma_start3A_119 = arith.constant 0 : i32
      %dma_start3A_120 = arith.constant 0 : i32
      %dma_start3A_121 = tpu.memref_slice %arg7[%dma_start3A_108, %dma_start3A_119, %dma_start3A_120] : memref<2x32x513xf32, #tpu.memory_space<vmem>> -> memref<1x32x512xf32, #tpu.memory_space<vmem>>
      %dma_start3A_122 = tpu.memref_squeeze %dma_start3A_121 : memref<1x32x512xf32, #tpu.memory_space<vmem>> -> memref<32x512xf32, #tpu.memory_space<vmem>>
      tpu.enqueue_dma source(%dma_start3A_122 : memref<32x512xf32, #tpu.memory_space<vmem>>) target(%dma_start3A_118 : memref<32x512xf32, #tpu.memory_space<hbm>>) target_semaphore(%arg9 : memref<!tpu.dma_semaphore, #tpu.memory_space<semaphore_mem>>)
    }
    %scan3A_17 = arith.constant 25 : i32
    %dma_wait3A = arith.constant 1 : i32
    %dma_wait3A_18 = arith.constant 49 : i32
    %dma_wait3A_19 = arith.constant 0 : i32
    %dma_wait3A_20 = arith.constant 0 : i32
    %dma_wait3A_21 = tpu.memref_slice %arg7[%dma_wait3A, %dma_wait3A_19, %dma_wait3A_20] : memref<2x32x513xf32, #tpu.memory_space<vmem>> -> memref<1x32x512xf32, #tpu.memory_space<vmem>>
    %dma_wait3A_22 = tpu.memref_squeeze %dma_wait3A_21 : memref<1x32x512xf32, #tpu.memory_space<vmem>> -> memref<32x512xf32, #tpu.memory_space<vmem>>
    %dma_wait3A_23 = arith.constant 0 : i32
    %dma_wait3A_24 = tpu.memref_slice %arg4[%dma_wait3A_18, %dma_wait3A_23, %multiple_of3A] : memref<50x32x16384xf32, #tpu.memory_space<hbm>> -> memref<1x32x512xf32, #tpu.memory_space<hbm>>
    %dma_wait3A_25 = tpu.memref_squeeze %dma_wait3A_24 : memref<1x32x512xf32, #tpu.memory_space<hbm>> -> memref<32x512xf32, #tpu.memory_space<hbm>>
    %dma_wait3A_26 = arith.constant 0 : i32
    %dma_wait3A_27 = tpu.memref_slice %arg4[%dma_wait3A_18, %dma_wait3A_26, %multiple_of3A] : memref<50x32x16384xf32, #tpu.memory_space<hbm>> -> memref<1x32x512xf32, #tpu.memory_space<hbm>>
    %dma_wait3A_28 = tpu.memref_squeeze %dma_wait3A_27 : memref<1x32x512xf32, #tpu.memory_space<hbm>> -> memref<32x512xf32, #tpu.memory_space<hbm>>
    %dma_wait3A_29 = arith.constant 0 : i32
    %dma_wait3A_30 = arith.constant 0 : i32
    %dma_wait3A_31 = tpu.memref_slice %arg7[%dma_wait3A, %dma_wait3A_29, %dma_wait3A_30] : memref<2x32x513xf32, #tpu.memory_space<vmem>> -> memref<1x32x512xf32, #tpu.memory_space<vmem>>
    %dma_wait3A_32 = tpu.memref_squeeze %dma_wait3A_31 : memref<1x32x512xf32, #tpu.memory_space<vmem>> -> memref<32x512xf32, #tpu.memory_space<vmem>>
    tpu.wait_dma2 semaphore(%arg9 : memref<!tpu.dma_semaphore, #tpu.memory_space<semaphore_mem>>) src(%dma_wait3A_32 : memref<32x512xf32, #tpu.memory_space<vmem>>) dst(%dma_wait3A_28 : memref<32x512xf32, #tpu.memory_space<hbm>>)
    return
  }
}

</mosaic_0001>

<sc_bundles>
// kernel: kernel.3.cloned.1.call-start
scs
__scs_entry_jumppad:
0x0: {  	(pc) =	sbr.rel $0x88, $3  }
0x1: {  	(tag) =	ssettag $0x0;
	lr =	simm.s32 $0x1  }
0x2: {  	[smem:$0x3F9F] =	sst lr;
	_ =	strace $0xD0000000  }
0x3: {  	_ = 	snop  }
0x4: {  	_ = 	snop  }
0x5: {  	_ = 	snop  }
0x6: {  	_ = 	snop  }
0x7: {  	_ = 	snop  }
__scs_overlays_trampoline_lowered:
0x8: {  	[smem:$0x3FAE] =	sst s0  }
0x9: {  	[smem:$0x3FAF] =	sst s1  }
0xa: {  	[smem:$0x3FB0] =	sst s2  }
0xb: {  	[smem:$0x3FB1] =	sst s3  }
0xc: {  	[smem:$0x3FB2] =	sst s4  }
0xd: {  	[smem:$0x3FB3] =	sst s5  }
0xe: {  	[smem:$0x3FB4] =	sst s6  }
0xf: {  	[smem:$0x3FB5] =	sst s7  }
0x10: {  	[smem:$0x3FB6] =	sst s8  }
0x11: {  	[smem:$0x3FB7] =	sst s9;
	s0 =	simm.s32 @!p0 $0x0  }
0x12: {  	s1 =	sld [smem:$0x3F9D];
	s0 =	simm.s32 @p0 $0x1  }
0x13: {  	[smem:$0x3FB8] =	sst s0;
	s0 =	simm.s32 @!p1 $0x0  }
0x14: {  	s2 =	sld [smem:$0x3F9C];
	s0 =	simm.s32 @p1 $0x1  }
0x15: {  	[smem:$0x3FB9] =	sst s0;
	s0 =	simm.s32 @!p2 $0x0  }
0x16: {  	s3 =	sld [smem:$0x3FDB];
	s0 =	simm.s32 @p2 $0x1  }
0x17: {  	s4 =	simm.s32 $0x1BF5;
	[smem:$0x3FBB] =	sst s0  }
0x18: {  	s0 =	sld [smem:$0x3F9E];
	_ =	swait.ge [sflag:s4], $0x0  }
0x19: {  	s7 =	sld [smem:$0x3F9F]  }
0x1a: {  	s8 =	sadd.s32 $0xFFFFE003, lr  }
0x1b: {  	s9 =	sadd.s32 $0xFFFFFEF7, lr;
	s5 =	simm.s32 $0xFFFFFFFF;
	p2 =	slt.u32 s8, $0xFFFFF086  }
0x1c: {  	p1 =	slt.u32 s9, $0xF7A;
	s5 =	simm.s32 @!p2 $0x0  }
0x1d: {  	s5 =	simm.s32 @p1 $0x1;
	p0 =	seq.s32 s7, s2  }
0x1e: {  	s7 =	smul.u32 @!p0 $0xF7A, s2;
	p2 =	seq.s32 @!p0 s5, $0x0  }
0x1f: {  	s9 =	smul.u32 $0xF7A, s1;
	s8 =	simm.s32 @!p0 $0x1BF5;
	p2 =	por !p2, p0  }
0x20: {  	[sflag:s8] =	ssyncset.s32 @!p0 $0xFFFFF086;
	s6 =	sadd.s32 @!p0 s3, s7;
	s7 =	simm.s32 @!p0 $0x108  }
0x21: {  	s3 =	sadd.s32 s3, s9;
	s6 =	sadd.s32 @!p0 $0x88, s6;
	s7 =	simm.s32 @p2 $0x1082  }
0x22: {  	[simem:s7], [sflag:s8] =	dma.local @!p0 [hbm:s6], $0xF7A  }
0x23: {  	s9 =	sor.u32 $0xD0000000, s2;
	s6 =	simm.s32 $0x108;
	_ =	swait.ge @!p0 [sflag:s8], $0x0  }
0x24: {  	s3 =	sadd.s32 $0x88, s3;
	s6 =	simm.s32 @!p1 $0x1082;
	[sflag:s4] =	ssyncset.s32 $0xFFFFF086  }
0x25: {  	[simem:s6], [sflag:s4] =	dma.local [hbm:s3], $0xF7A  }
0x26: {  	[smem:$0x3F9F] =	sst s1;
	(tag) =	ssettag s2;
	_ =	strace s9  }
0x27: {  	s1 =	sld [smem:$0x3FAF]  }
0x28: {  	s2 =	sld [smem:$0x3FB0]  }
0x29: {  	s4 =	sld [smem:$0x3FB2]  }
0x2a: {  	p0 =	seq.s32 s5, $0x0;
	s5 =	sld [smem:$0x3FB3]  }
0x2b: {  	s6 =	sld [smem:$0x3FB4]  }
0x2c: {  	s7 =	sld [smem:$0x3FB5]  }
0x2d: {  	s3 =	simm.s32 $0x108;
	s8 =	sld [smem:$0x3FB6]  }
0x2e: {  	s3 =	simm.s32 @!p0 $0x1082;
	s9 =	sld [smem:$0x3FB7]  }
0x2f: {  	lr =	sadd.s32 s0, s3;
	s0 =	sld [smem:$0x3FAE]  }
0x30: {  	s3 =	sld [smem:$0x3FB1]  }
0x31: {  	[smem:$0x3FBA] =	sst s10  }
0x32: {  	s10 =	sld [smem:$0x3FB8];
	_ =	sdelay $0x3  }
0x33: {  	p0 =	seq.s32 s10, $0x1;
	s10 =	sld [smem:$0x3FBA];
	_ =	sdelay $0x3  }
0x34: {  	[smem:$0x3FBA] =	sst s10  }
0x35: {  	s10 =	sld [smem:$0x3FB9];
	_ =	sdelay $0x3  }
0x36: {  	p1 =	seq.s32 s10, $0x1;
	s10 =	sld [smem:$0x3FBA];
	_ =	sdelay $0x3  }
0x37: {  	[smem:$0x3FBA] =	sst s10  }
0x38: {  	s10 =	sld [smem:$0x3FBB]  }
0x39: {  	_ = 	snop;
	(pc) =	sbr.ind lr, $3  }
0x3a: {  	_ = 	snop  }
0x3b: {  	_ = 	snop  }
0x3c: {  	p2 =	seq.s32 s10, $0x1;
	s10 =	sld [smem:$0x3FBA]  }
0x3d: {  	_ =	shalt  }
0x3e: {  	_ =	shalt  }
0x3f: {  	_ =	shalt  }
0x40: {  	_ =	shalt  }
0x41: {  	_ =	shalt  }
0x42: {  	_ =	shalt  }
0x43: {  	_ =	shalt  }
0x44: {  	_ =	shalt  }
0x45: {  	_ =	shalt  }
0x46: {  	_ =	shalt  }
0x47: {  	_ =	shalt  }
0x48: {  	_ =	shalt  }
0x49: {  	_ =	shalt  }
0x4a: {  	_ =	shalt  }
0x4b: {  	_ =	shalt  }
0x4c: {  	_ =	shalt  }
0x4d: {  	_ =	shalt  }
0x4e: {  	_ =	shalt  }
0x4f: {  	_ =	shalt  }
0x50: {  	_ =	shalt  }
0x51: {  	_ =	shalt  }
0x52: {  	_ =	shalt  }
0x53: {  	_ =	shalt  }
0x54: {  	_ =	shalt  }
0x55: {  	_ =	shalt  }
0x56: {  	_ =	shalt  }
0x57: {  	_ =	shalt  }
0x58: {  	_ =	shalt  }
0x59: {  	_ =	shalt  }
0x5a: {  	_ =	shalt  }
0x5b: {  	_ =	shalt  }
0x5c: {  	_ =	shalt  }
0x5d: {  	_ =	shalt  }
0x5e: {  	_ =	shalt  }
0x5f: {  	_ =	shalt  }
0x60: {  	_ =	shalt  }
0x61: {  	_ =	shalt  }
0x62: {  	_ =	shalt  }
0x63: {  	_ =	shalt  }
0x64: {  	_ =	shalt  }
0x65: {  	_ =	shalt  }
0x66: {  	_ =	shalt  }
0x67: {  	_ =	shalt  }
0x68: {  	_ =	shalt  }
0x69: {  	_ =	shalt  }
0x6a: {  	_ =	shalt  }
0x6b: {  	_ =	shalt  }
0x6c: {  	_ =	shalt  }
0x6d: {  	_ =	shalt  }
0x6e: {  	_ =	shalt  }
0x6f: {  	_ =	shalt  }
0x70: {  	_ =	shalt  }
0x71: {  	_ =	shalt  }
0x72: {  	_ =	shalt  }
0x73: {  	_ =	shalt  }
0x74: {  	_ =	shalt  }
0x75: {  	_ =	shalt  }
0x76: {  	_ =	shalt  }
0x77: {  	_ =	shalt  }
0x78: {  	_ =	shalt  }
0x79: {  	_ =	shalt  }
0x7a: {  	_ =	shalt  }
0x7b: {  	_ =	shalt  }
0x7c: {  	_ =	shalt  }
0x7d: {  	_ =	shalt  }
0x7e: {  	_ =	shalt  }
0x7f: {  	_ =	shalt  }
0x80: {  	_ =	shalt  }
0x81: {  	_ =	shalt  }
0x82: {  	_ =	shalt  }
0x83: {  	_ =	shalt  }
0x84: {  	_ =	shalt  }
0x85: {  	_ =	shalt  }
0x86: {  	_ =	shalt  }
0x87: {  	_ =	shalt  }
.Lfunc_end0:
.L_simem_size_0:
called_computation_lowered:
.L_overlay_start_0:
0x88: {  	s2 =	sld [smem:$0x3FD9]  }
0x89: {  	s3 =	sld [smem:$0x3FFE];
	_ =	sdelay $0x1  }
0x8a: {  	s1 =	srdreg.scid  }
0x8b: {  	s0 =	sand.u32 $0x1, s1  }
0x8c: {  	s17 =	sshll.u32 s0, $0xA;
	s2 =	sadd.s32 s3, s2  }
0x8d: {  	s2 =	sadd.s32 s2, s17  }
0x8e: {  	[smem:$0x3FC6] =	sst s2  }
0x8f: {  	_ = 	snop  }
0x90: {  	s2 =	sld [smem:$0x3FD0];
	(tm) =	ssettm $0x1  }
0x91: {  	s18 =	sld [smem:$0x3FFB];
	_ =	sdelay $0x3  }
0x92: {  	_ =	strace s18  }
0x93: {  	s3 =	sld [smem:$0x3FFC];
	_ =	sdelay $0x3  }
0x94: {  	_ =	strace s3  }
0x95: {  	s3 =	sld [smem:$0x3FFD];
	_ =	sdelay $0x3  }
0x96: {  	_ =	strace s3  }
0x97: {  	_ =	strace $0x8FFFFFFF  }
0x98: {  	s19 =	sld [smem:$0x3FDB];
	_ =	sdelay $0x1  }
0x99: {  	s4 =	simm.s32 $_scs_section_size  }
0x9a: {  	s5 =	simm.s32 $_size__tile_overlayer_lowered;
	s6 =	simm.s32 $_tile_overlayer_lowered  }
0x9b: {  	s22 =	simm.s32 $0x1BFF;
	s21 =	sshll.u32 s6, $0x1;
	s3 =	sadd.s32 s4, s19  }
0x9c: {  	s7 =	simm.s32 $0x0;
	s20 =	sshll.u32 s5, $0x1;
	s5 =	sadd.s32 s21, s3  }
0x9d: {  	[timem:s7], [sflag:s22] =	dma.local [hbm:s5], s20  }
0x9e: {  	_ =	swait.ge [sflag:s22], s20  }
0x9f: {  	s4 =	ssub.s32 $0x0, s20;
	[sflag:s22] =	ssyncset.done $0x0  }
0xa0: {  	[sflag:s22] =	ssyncadd.s32 s4;
	_ =	sdelay $0x1  }
0xa1: {  	s23 =	simm.s32 $0x1B8B  }
0xa2: {  	_ =	swait.ge [sflag:s23], $0x1  }
0xa3: {  	[sflag:s23] =	ssyncset.done $0x0  }
0xa4: {  	s25 =	simm.s32 $0x1B8E;
	s24 =	sld [smem:$0x3FFE];
	[sflag:s23] =	ssyncadd.s32 $0xFFFFFFFF  }
0xa5: {  	s26 =	simm.s32 $execute0_lowered;
	[smem:$0x3FD2] =	sst s25  }
0xa6: {  	s5 =	sshll.u32 s26, $0x1;
	_ =	strace $0x80000046;
	[dreg:$0x1] =	wrdreg $0xFFFFFFFF  }
0xa7: {  	s28 =	simm.s32 $_size_execute0_lowered;
	s3 =	sadd.s32 s3, s5;
	[dreg:$0x0] =	wrdreg $0x0  }
0xa8: {  	s5 =	sshll.u32 s28, $0x1;
	[dreg:$0x2] =	wrdreg s3  }
0xa9: {  	[dreg:$0x3] =	wrdreg s5  }
0xaa: {  	[dreg:$0x4] =	wrdreg $0xC0  }
0xab: {  	_ =	task [dreg:s7], $0x5FFFF  }
0xac: {  	[dreg:$0x1] =	wrdreg $0xFFFFFFFF  }
0xad: {  	[dreg:$0x0] =	wrdreg $0x60  }
0xae: {  	[dreg:$0x2] =	wrdreg s2  }
0xaf: {  	[dreg:$0x3] =	wrdreg s24  }
0xb0: {  	[dreg:$0x4] =	wrdreg $0x9  }
0xb1: {  	_ =	task.clear_ibuf [dreg:s7], $0x5FFFF;
	_ =	strace $0x90000046  }
0xb2: {  	s29 =	simm.s32 $0x9;
	_ =	strace $0x80000048  }
0xb3: {  	_ =	swait.ge [sflag:s29], $0x1  }
0xb4: {  	[sflag:s29] =	ssyncadd.s32 $0xFFFFFFFF  }
0xb5: {  	_ =	strace $0x90000048  }
0xb6: {  	_ =	sfence  }
0xb7: {  	s30 =	sld [smem:$0x0];
	_ =	sdelay $0x2  }
0xb8: {  	s31 =	sshll.u32 s1, $0xD;
	s1 =	sshrl.u32 s1, $0x2  }
0xb9: {  	s3 =	sand.u32 $0x4000, s31;
	s1 =	sadd.s32 s1, s30  }
0xba: {  	s0 =	sor.u32 s3, s0;
	s1 =	sshll.u32 s1, $0x11  }
0xbb: {  	s0 =	sor.u32 s1, s0  }
0xbc: {  	s0 =	sadd.s32 $0x8F2B, s0  }
0xbd: {  	[sflag:s0] =	ssyncadd.remote.s32 $0x1  }
0xbe: {  	_ =	sfence.sel $0xFFFF  }
0xbf: {  	[dreg:$0x0] =	wrdreg $0xFFFFFFFF;
	(pc) =	sbr.abs _section_cstart, $3  }
0xc0: {  	[dreg:$0x1] =	wrdreg $0xFFFFFFFF  }
0xc1: {  	_ =	task.clear_ibuf [dreg:s7], $0x2FFFF;
	_ =	strace $0x9FFFFFFF  }
0xc2: {  	(tm) =	ssettm $0x7FFFFFFF  }
0xc3: {  	_ =	shalt  }
tec
execute0_lowered:
.L_overlay_start_1:
0x0: {  	(tag) =	ssettag $0x1  }
0x1: {  	s6 =	rddreg [dreg:$0x0]  }
0x2: {  	s5 =	rddreg [dreg:$0x1]  }
0x3: {  	s0 =	rddreg [dreg:$0x2]  }
0x4: {  	s2 =	simm.s32 $0x0;
	s3 =	srdreg.scid;
	s1 =	stileid.u32  }
0x5: {  	v0 =	vlaneseq.u32;
	s10 =	simm.s32 $0x3;
	s11 =	simm.s32 $0x6400;
	s12 =	simm.s32 $0x1  }
0x6: {  	v1 =	vimm.s32 $0x0;
	vm0 =	vcmask $0x300;
	s13 =	simm.s32 $0xA400;
	s14 =	simm.s32 $0xE400;
	s15 =	simm.s32 $0x2;
	v0 =	vmul.u32 $0x208, v0  }
0x7: {  	s16 =	simm.s32 $0x12500;
	s17 =	simm.s32 $0x0;
	[smem:$0x7FF] =	sst s2;
	v1 =	vsel vm0, $0x3, v1  }
0x8: {  	s3 =	sand.u32 $0x1, s3;
	s4 =	sshll.u32 s1, $0xA;
	_ =	strace $0x80000047;
	v2 =	vadd.s32 $0x2080, v0;
	v3 =	vor.u32 $0x1, v0;
	v4 =	vadd.s32 $0x2081, v0  }
0x9: {  	s7 =	ssub.s32 $0x2, s3;
	s8 =	sshll.u32 s3, $0x9;
	s3 =	sadd.s32 $0xF42A00, s5;
	v5 =	vor.u32 $0x2, v0;
	v6 =	vadd.s32 $0x2082, v0;
	v7 =	vor.u32 $0x3, v0  }
0xa: {  	s5 =	sadd.s32 $0x600, s5;
	s9 =	sshrl.u32 s7, $0x1;
	s4 =	sor.u32 s8, s4;
	v8 =	vadd.s32 $0x2083, v0;
	v9 =	vor.u32 $0x4, v0;
	v10 =	vadd.s32 $0x2084, v0  }
0xb: {  	v11 =	vor.u32 $0x5, v0;
	v12 =	vadd.s32 $0x2085, v0;
	v13 =	vor.u32 $0x6, v0;
	s7 =	ssub.s32 s7, s9;
	s8 =	sshrl.u32 s4, $0x3;
	s9 =	simm.s32 $0x4000  }
0xc: {  	v14 =	vadd.s32 $0x2086, v0;
	v15 =	vor.u32 $0x7, v0;
	v16 =	vadd.s32 $0x2087, v0;
	s6 =	sadd.s32 s6, s8;
	s7 =	smax.u32 s7, $0x1;
	s8 =	simm.s32 $0x200  }
.LBB2_1:
0xd: {  	[tilespmem:s2], [sflag:$0x3] =	stream.strided.gather [hbm4b:s6+s8], $0x6400, s9, s8, $0x38;
	[tilespmem:$0x16600] =	vst v63  }
0xe: {  	_ =	swait.ge [sflag:s10], $0x6400  }
0xf: {  	[sflag:s10] =	ssyncset.done $0x0  }
0x10: {  	s18 =	simm.s32 $0x0;
	[sflag:s10] =	ssyncadd.s32 $0xFFFF9C00  }
0x11: {  	[tilespmem:s11], [sflag:$0x1] =	stream.indirect.gather [hbm4b:s3+s8], $0x20, s2, s8, $0xb8;
	[tilespmem:$0x16600] =	vst v63  }
.LBB2_2:
0x12: {  	_ =	swait.ge [sflag:s12], $0x4000  }
0x13: {  	s19 =	sshllo.u32 s18, $0x1;
	s26 =	simm.s32 $0x0;
	s28 =	simm.s32 $0x1  }
0x14: {  	s21 =	simm.s32 $0x2;
	s29 =	simm.s32 $0x3;
	s30 =	simm.s32 $0x4  }
0x15: {  	s22 =	simm.s32 $0x7;
	p0 =	seq.s32 s18, $0x0;
	s31 =	simm.s32 $0x5;
	v17 =	vmov s26  }
0x16: {  	s23 =	simm.s32 $0x6;
	[sflag:s12] =	ssyncset.done $0x0;
	s20 =	sshll.u32 s19, $0x9;
	v18 =	vmov s28;
	v19 =	vmov s21;
	v20 =	vmov s29  }
0x17: {  	v21 =	vmov s30;
	v22 =	vmov s22;
	s21 =	simm.s32 @!p0 $0x2;
	v23 =	vmov s31;
	[sflag:s12] =	ssyncadd.s32 $0xFFFFC000;
	s20 =	sand.u32 $0x3FFFFE00, s20  }
0x18: {  	v24 =	vmov s23;
	v17 =	vshrl.u32 v17, $0x3;
	v22 =	vshrl.u32 v22, $0x3;
	[tilespmem:s13], [sflag:$0x1] =	stream.indirect.gather [hbm4b:s3+s8], $0x20, s20, s8, $0xb8;
	[tilespmem:$0x16600] =	vst v63  }
0x19: {  	v18 =	vshrl.u32 v18, $0x3;
	v19 =	vshrl.u32 v19, $0x3;
	v22 =	vshll.u32 v22, v1;
	_ =	swait.ge @!p0 [sflag:s21], $0x4000  }
0x1a: {  	v20 =	vshrl.u32 v20, $0x3;
	v17 =	vshll.u32 v17, v1;
	v25 =	vbroadcast v22, $0x0;
	[sflag:s21] =	ssyncset.done @!p0 $0x0  }
0x1b: {  	s20 =	simm.s32 $0x6480;
	v18 =	vshll.u32 v18, v1;
	v22 =	vshrl.u32 v21, $0x3;
	v17 =	vbroadcast v17, $0x0;
	[sflag:s21] =	ssyncadd.s32 @!p0 $0xFFFFC000  }
0x1c: {  	v30 =	vbroadcast v18, $0x0;
	v18 =	vshll.u32 v19, v1;
	v26 =	vadd.s32 v15, v25;
	v19 =	vld [tilespmem:s20+$0x60]  }
0x1d: {  	v36 =	vbroadcast v18, $0x0;
	v18 =	vshll.u32 v20, v1;
	v28 =	vadd.s32 v0, v17;
	v27 =	vld [tilespmem:s20+$0xFFFFFF80]  }
0x1e: {  	v31 =	vadd.s32 v3, v30;
	v21 =	vbroadcast v18, $0x0;
	v18 =	vshll.u32 v22, v1;
	v29 =	vld [tilespmem:s20+$0xFFFFFFA0]  }
0x1f: {  	v32 =	vld [tilespmem:s20+$0xFFFFFFC0];
	v33 =	vadd.s32 v5, v36;
	v20 =	vbroadcast v18, $0x0;
	v18 =	vshrl.u32 v23, $0x3  }
0x20: {  	v34 =	vld [tilespmem:s20+$0xFFFFFFE0];
	v23 =	vshrl.u32 v24, $0x3;
	v39 =	vadd.s32 v7, v21;
	v18 =	vshll.u32 v18, v1  }
0x21: {  	s25 =	simm.s32 $0x9;
	v40 =	vld [tilespmem:s20+$0x0];
	v41 =	vadd.s32 v9, v20;
	v22 =	vbroadcast v18, $0x0;
	v18 =	vshll.u32 v23, v1;
	[tilespmem:v26+s14+$0x0] =	vst.idx.msk $0xffff, v19  }
0x22: {  	v37 =	vmov s25;
	s26 =	simm.s32 $0xA;
	v25 =	vadd.s32 v16, v25;
	v23 =	vbroadcast v18, $0x0;
	[tilespmem:v28+s14+$0x0] =	vst.idx.msk $0xffff, v27;
	v24 =	vld [tilespmem:s20+$0x70]  }
0x23: {  	s24 =	simm.s32 $0x8;
	v38 =	vmov s26;
	v35 =	vadd.s32 v4, v30;
	[tilespmem:v31+s14+$0x0] =	vst.idx.msk $0xffff, v29;
	v26 =	vld [tilespmem:s20+$0x20];
	v27 =	vadd.s32 v11, v22  }
0x24: {  	s28 =	simm.s32 $0xB;
	s30 =	simm.s32 $0xD;
	v36 =	vadd.s32 v6, v36;
	v19 =	vmov s24;
	[tilespmem:v33+s14+$0x0] =	vst.idx.msk $0xffff, v32;
	v29 =	vld [tilespmem:s20+$0x40];
	v31 =	vadd.s32 v13, v23  }
0x25: {  	s29 =	simm.s32 $0xC;
	s31 =	simm.s32 $0xE;
	v18 =	vmov s30;
	v28 =	vmov s28;
	v19 =	vshrl.u32 v19, $0x3;
	v33 =	vld [tilespmem:s20+$0xFFFFFFB0];
	[tilespmem:v39+s14+$0x0] =	vst.idx.msk $0xffff, v34  }
0x26: {  	s22 =	simm.s32 $0xF;
	s21 =	simm.s32 $0x10;
	v32 =	vmov s29;
	v34 =	vld [tilespmem:s20+$0xFFFFFFD0];
	v30 =	vshll.u32 v19, v1;
	v19 =	vmov s31;
	[tilespmem:v41+s14+$0x0] =	vst.idx.msk $0xffff, v40  }
.LBB2_3:
0x27: {  	p0 =	slt.u32 s21, $0x1F8;
	v37 =	vshrl.u32 v37, $0x3;
	v39 =	vmov s22;
	v40 =	vld [tilespmem:s20+$0xFFFFFFF0];
	v21 =	vadd.s32 v8, v21;
	[tilespmem:v25+s14+$0x0] =	vst.idx.msk $0xffff, v24  }
0x28: {  	v24 =	vshrl.u32 v38, $0x3;
	v20 =	vadd.s32 v10, v20;
	v25 =	vshrl.u32 v39, $0x3;
	v38 =	vld [tilespmem:s20+$0x10];
	[tilespmem:v27+s14+$0x0] =	vst.idx.msk $0xffff, v26  }
0x29: {  	v22 =	vadd.s32 v12, v22;
	v26 =	vshrl.u32 v28, $0x3;
	v25 =	vshll.u32 v25, v1;
	v27 =	vld [tilespmem:s20+$0x30];
	[tilespmem:v31+s14+$0x0] =	vst.idx.msk $0xffff, v29  }
0x2a: {  	v23 =	vadd.s32 v14, v23;
	v28 =	vshrl.u32 v32, $0x3;
	v25 =	vbroadcast v25, $0x0;
	[tilespmem:v35+s14+$0x0] =	vst.idx.msk $0xffff, v33;
	v29 =	vld [tilespmem:s20+$0x50]  }
0x2b: {  	v31 =	vshll.u32 v37, v1;
	v33 =	vadd.s32 v2, v17;
	v17 =	vbroadcast v30, $0x0;
	v32 =	vld [tilespmem:s20+$0xFFFFFF90];
	[tilespmem:v36+s14+$0x0] =	vst.idx.msk $0xffff, v34;
	s20 =	sadd.s32 $0x100, s20  }
0x2c: {  	v24 =	vshll.u32 v24, v1;
	v30 =	vbroadcast v31, $0x0;
	v31 =	vld [tilespmem:s20+$0x60];
	v34 =	vadd.s32 v15, v25;
	[tilespmem:v21+s14+$0x0] =	vst.idx.msk $0xffff, v40  }
0x2d: {  	v39 =	vbroadcast v24, $0x0;
	v36 =	vadd.s32 v0, v17;
	v21 =	vshll.u32 v26, v1;
	v35 =	vld [tilespmem:s20+$0xFFFFFF80];
	[tilespmem:v20+s14+$0x0] =	vst.idx.msk $0xffff, v38  }
0x2e: {  	v38 =	vadd.s32 v3, v30;
	v21 =	vbroadcast v21, $0x0;
	v20 =	vshll.u32 v28, v1;
	v26 =	vld [tilespmem:s20+$0xFFFFFFA0];
	[tilespmem:v22+s14+$0x0] =	vst.idx.msk $0xffff, v27  }
0x2f: {  	v18 =	vshrl.u32 v18, $0x3;
	v41 =	vadd.s32 v5, v39;
	v20 =	vbroadcast v20, $0x0;
	v40 =	vld [tilespmem:s20+$0xFFFFFFC0];
	[tilespmem:v23+s14+$0x0] =	vst.idx.msk $0xffff, v29  }
0x30: {  	v19 =	vshrl.u32 v19, $0x3;
	v18 =	vshll.u32 v18, v1;
	v43 =	vadd.s32 v7, v21;
	v42 =	vld [tilespmem:s20+$0xFFFFFFE0];
	[tilespmem:v33+s14+$0x0] =	vst.idx.msk $0xffff, v32  }
0x31: {  	v22 =	vbroadcast v18, $0x0;
	v18 =	vshll.u32 v19, v1;
	v45 =	vadd.s32 v9, v20;
	v44 =	vld [tilespmem:s20+$0x0];
	[tilespmem:v34+s14+$0x0] =	vst.idx.msk $0xffff, v31  }
.Ltmp0:
0x32: {  	s22 =	sadd.s32 $0x1, s21;
	v25 =	vadd.s32 v16, v25;
	v19 =	vmov s21;
	v23 =	vbroadcast v18, $0x0;
	[tilespmem:v36+s14+$0x0] =	vst.idx.msk $0xffff, v35;
	v24 =	vld [tilespmem:s20+$0x70];
	(pc) =	sbr.rel @p0 .LBB2_3-.Ltmp0, $4  }
0x33: {  	s23 =	sadd.s32 $0x3, s21;
	v37 =	vmov s22;
	s22 =	sadd.s32 $0x2, s21;
	v19 =	vshrl.u32 v19, $0x3;
	v27 =	vadd.s32 v11, v22;
	[tilespmem:v38+s14+$0x0] =	vst.idx.msk $0xffff, v26;
	v26 =	vld [tilespmem:s20+$0x20]  }
0x34: {  	v28 =	vmov s23;
	s23 =	sadd.s32 $0x5, s21;
	v31 =	vadd.s32 v13, v23;
	v38 =	vmov s22;
	s22 =	sadd.s32 $0x4, s21;
	[tilespmem:v41+s14+$0x0] =	vst.idx.msk $0xffff, v40;
	v29 =	vld [tilespmem:s20+$0x40]  }
0x35: {  	v18 =	vmov s23;
	v35 =	vadd.s32 v4, v30;
	v32 =	vmov s22;
	s22 =	sadd.s32 $0x6, s21;
	v33 =	vld [tilespmem:s20+$0xFFFFFFB0];
	[tilespmem:v43+s14+$0x0] =	vst.idx.msk $0xffff, v42  }
0x36: {  	v30 =	vshll.u32 v19, v1;
	v36 =	vadd.s32 v6, v39;
	v19 =	vmov s22;
	s22 =	sadd.s32 $0x7, s21;
	s21 =	sadd.s32 $0x8, s21;
	v34 =	vld [tilespmem:s20+$0xFFFFFFD0];
	[tilespmem:v45+s14+$0x0] =	vst.idx.msk $0xffff, v44  }
0x37: {  	_ =	sdelay $0x2  }
0x38: {  	v37 =	vshrl.u32 v37, $0x3;
	v39 =	vmov s22  }
0x39: {  	v40 =	vld [tilespmem:s20+$0xFFFFFFF0];
	v21 =	vadd.s32 v8, v21;
	[tilespmem:v25+s14+$0x0] =	vst.idx.msk $0xffff, v24;
	v59 =	vshrl.u32 v38, $0x3;
	v20 =	vadd.s32 v10, v20  }
0x3a: {  	v61 =	vld [tilespmem:s20+$0x10];
	v62 =	vshrl.u32 v28, $0x3;
	v22 =	vadd.s32 v12, v22;
	v63 =	vshrl.u32 v32, $0x3;
	[tilespmem:v27+s14+$0x0] =	vst.idx.msk $0xffff, v26  }
0x3b: {  	v23 =	vadd.s32 v14, v23;
	v30 =	vbroadcast v30, $0x0;
	v41 =	vld [tilespmem:s20+$0xFFFFFF90];
	v17 =	vadd.s32 v2, v17;
	[tilespmem:v31+s14+$0x0] =	vst.idx.msk $0xffff, v29  }
0x3c: {  	s30 =	sadd.s32 $0x100, s20;
	v18 =	vshrl.u32 v18, $0x3;
	v60 =	vshrl.u32 v39, $0x3;
	v39 =	vshll.u32 v37, v1;
	v27 =	vld [tilespmem:s20+$0x30];
	[tilespmem:v35+s14+$0x0] =	vst.idx.msk $0xffff, v33  }
0x3d: {  	v24 =	vshll.u32 v59, v1;
	v44 =	vld [tilespmem:s30+$0xFFFFFF80];
	v31 =	vbroadcast v39, $0x0;
	v45 =	vadd.s32 v0, v30;
	[tilespmem:v36+s14+$0x0] =	vst.idx.msk $0xffff, v34  }
0x3e: {  	v19 =	vshrl.u32 v19, $0x3;
	v26 =	vshll.u32 v62, v1;
	v24 =	vbroadcast v24, $0x0;
	v29 =	vld [tilespmem:s20+$0x50];
	[tilespmem:v21+s14+$0x0] =	vst.idx.msk $0xffff, v40  }
0x3f: {  	v46 =	vld [tilespmem:s30+$0xFFFFFFA0];
	v18 =	vshll.u32 v18, v1;
	v26 =	vbroadcast v26, $0x0;
	v47 =	vadd.s32 v3, v31;
	[tilespmem:v20+s14+$0x0] =	vst.idx.msk $0xffff, v61  }
0x40: {  	v48 =	vld [tilespmem:s30+$0xFFFFFFC0];
	v19 =	vshll.u32 v19, v1;
	v18 =	vbroadcast v18, $0x0;
	v49 =	vadd.s32 v5, v24;
	[tilespmem:v17+s14+$0x0] =	vst.idx.msk $0xffff, v41  }
0x41: {  	v28 =	vshll.u32 v63, v1;
	v50 =	vld [tilespmem:s30+$0xFFFFFFE0];
	v19 =	vbroadcast v19, $0x0;
	v51 =	vadd.s32 v7, v26;
	[tilespmem:v22+s14+$0x0] =	vst.idx.msk $0xffff, v27  }
0x42: {  	v54 =	vld [tilespmem:s30+$0x20];
	v25 =	vshll.u32 v60, v1;
	v28 =	vbroadcast v28, $0x0;
	v55 =	vadd.s32 v11, v18;
	[tilespmem:v45+s14+$0x0] =	vst.idx.msk $0xffff, v44  }
0x43: {  	v56 =	vld [tilespmem:s30+$0x40];
	v25 =	vbroadcast v25, $0x0;
	v57 =	vadd.s32 v13, v19;
	[tilespmem:v23+s14+$0x0] =	vst.idx.msk $0xffff, v29  }
0x44: {  	v52 =	vadd.s32 v9, v28;
	v17 =	vld [tilespmem:s30+$0x0];
	[tilespmem:v47+s14+$0x0] =	vst.idx.msk $0xffff, v46  }
0x45: {  	v42 =	vld [tilespmem:s30+$0x60];
	v43 =	vadd.s32 v15, v25;
	[tilespmem:v49+s14+$0x0] =	vst.idx.msk $0xffff, v48  }
0x46: {  	v63 =	vadd.s32 v2, v30;
	v62 =	vld [tilespmem:s30+$0xFFFFFF90];
	[tilespmem:v51+s14+$0x0] =	vst.idx.msk $0xffff, v50  }
0x47: {  	v31 =	vadd.s32 v4, v31;
	[tilespmem:v55+s14+$0x0] =	vst.idx.msk $0xffff, v54;
	v58 =	vld [tilespmem:s30+$0xFFFFFFB0]  }
0x48: {  	v24 =	vadd.s32 v6, v24;
	[tilespmem:v57+s14+$0x0] =	vst.idx.msk $0xffff, v56;
	v59 =	vld [tilespmem:s30+$0xFFFFFFD0]  }
0x49: {  	v26 =	vadd.s32 v8, v26;
	[tilespmem:v52+s14+$0x0] =	vst.idx.msk $0xffff, v17;
	v17 =	vld [tilespmem:s30+$0xFFFFFFF0]  }
0x4a: {  	v18 =	vadd.s32 v12, v18;
	[tilespmem:v43+s14+$0x0] =	vst.idx.msk $0xffff, v42;
	v20 =	vld [tilespmem:s30+$0x30]  }
0x4b: {  	v19 =	vadd.s32 v14, v19;
	v22 =	vld [tilespmem:s30+$0x50];
	[tilespmem:v63+s14+$0x0] =	vst.idx.msk $0xffff, v62  }
0x4c: {  	v25 =	vadd.s32 v16, v25;
	v53 =	vld [tilespmem:s30+$0x70];
	[tilespmem:v31+s14+$0x0] =	vst.idx.msk $0xffff, v58  }
0x4d: {  	v61 =	vadd.s32 v10, v28;
	v60 =	vld [tilespmem:s30+$0x10];
	[tilespmem:v24+s14+$0x0] =	vst.idx.msk $0xffff, v59  }
0x4e: {  	s31 =	sshll.u32 s18, $0x14;
	[tilespmem:v26+s14+$0x0] =	vst.idx.msk $0xffff, v17  }
0x4f: {  	s20 =	sor.u32 s4, s31;
	[tilespmem:v18+s14+$0x0] =	vst.idx.msk $0xffff, v20  }
0x50: {  	s20 =	sshrl.u32 s20, $0x3;
	[tilespmem:v19+s14+$0x0] =	vst.idx.msk $0xffff, v22  }
0x51: {  	s21 =	simm.s32 $0xE400;
	s20 =	sadd.s32 s5, s20;
	[tilespmem:v25+s14+$0x0] =	vst.idx.msk $0xffff, v53  }
0x52: {  	s22 =	simm.s32 $0x800;
	s23 =	simm.s32 $0xE608;
	s24 =	sadd.s32 $0x0, s20;
	[tilespmem:v61+s14+$0x0] =	vst.idx.msk $0xffff, v60  }
.LBB2_5:
0x53: {  	[hbm4b:s24+s2] =	stream.linear.scatter [tilespmem:s21], [sflag:$0x2], $0x200, $0x38;
	[tilespmem:$0x16600] =	vst v63  }
0x54: {  	s24 =	smov.u32 s22;
	s21 =	smov.u32 s23;
	p0 =	sne.s32 s22, $0xF800  }
.Ltmp1:
0x55: {  	s22 =	sadd.s32 $0x800, s22;
	(pc) =	sbr.rel @p0 .LBB2_5-.Ltmp1, $2  }
0x56: {  	_ =	sdelay $0x2  }
0x57: {  	s23 =	sadd.s32 $0x208, s23;
	s24 =	sadd.s32 s24, s20  }
0x58: {  	[hbm4b:s24+s2] =	stream.linear.scatter [tilespmem:s21], [sflag:$0x2], $0x200, $0x38;
	[tilespmem:$0x16600] =	vst v63  }
0x59: {  	p0 =	seq.s32 s18, $0x18;
	s24 =	simm.s32 $0x0  }
0x5a: {  	s25 =	simm.s32 $0x1;
	s26 =	simm.s32 $0x2;
	s28 =	simm.s32 $0x3  }
0x5b: {  	s29 =	simm.s32 $0x4;
	s30 =	simm.s32 $0x7;
	s31 =	simm.s32 $0x5  }
0x5c: {  	s23 =	simm.s32 $0x6;
	_ =	swait.ge [sflag:s12], $0x4000;
	s20 =	sshll.u32 @!p0 s18, $0xA;
	v17 =	vmov s24  }
0x5d: {  	s21 =	simm.s32 @!p0 $0x200;
	v18 =	vmov s25;
	v19 =	vmov s26;
	v20 =	vmov s28;
	[sflag:s12] =	ssyncset.done $0x0;
	s20 =	sand.u32 @!p0 $0x3FFFFC00, s20  }
0x5e: {  	s22 =	simm.s32 @!p0 $0x6400;
	v21 =	vmov s29;
	v22 =	vmov s30;
	v23 =	vmov s31;
	[sflag:s12] =	ssyncadd.s32 $0xFFFFC000;
	s20 =	sadd.s32 @!p0 $0x400, s20  }
0x5f: {  	v24 =	vmov s23;
	v17 =	vshrl.u32 v17, $0x3;
	v22 =	vshrl.u32 v22, $0x3;
	[tilespmem:s22], [sflag:$0x1] =	stream.indirect.gather @!p0 [hbm4b:s3+s21], $0x20, s20, s21, $0xb8;
	[tilespmem:$0x16600] =	vst v63  }
0x60: {  	v18 =	vshrl.u32 v18, $0x3;
	v19 =	vshrl.u32 v19, $0x3;
	v22 =	vshll.u32 v22, v1;
	_ =	swait.ge [sflag:s15], $0x4000  }
0x61: {  	v20 =	vshrl.u32 v20, $0x3;
	v17 =	vshll.u32 v17, v1;
	v25 =	vbroadcast v22, $0x0;
	[sflag:s15] =	ssyncset.done $0x0  }
0x62: {  	v18 =	vshll.u32 v18, v1;
	s20 =	simm.s32 $0xA4F0;
	v22 =	vshrl.u32 v21, $0x3;
	v17 =	vbroadcast v17, $0x0;
	[sflag:s15] =	ssyncadd.s32 $0xFFFFC000  }
0x63: {  	v30 =	vbroadcast v18, $0x0;
	v18 =	vshll.u32 v19, v1;
	v26 =	vadd.s32 v15, v25;
	v19 =	vld [tilespmem:s20+$0xFFFFFFF0]  }
0x64: {  	v36 =	vbroadcast v18, $0x0;
	v18 =	vshll.u32 v20, v1;
	v28 =	vadd.s32 v0, v17;
	v27 =	vld [tilespmem:s20+$0xFFFFFF10]  }
0x65: {  	v31 =	vadd.s32 v3, v30;
	v21 =	vbroadcast v18, $0x0;
	v18 =	vshll.u32 v22, v1;
	v29 =	vld [tilespmem:s20+$0xFFFFFF30]  }
0x66: {  	v33 =	vadd.s32 v5, v36;
	v20 =	vbroadcast v18, $0x0;
	v18 =	vshrl.u32 v23, $0x3;
	v32 =	vld [tilespmem:s20+$0xFFFFFF50]  }
0x67: {  	v23 =	vshrl.u32 v24, $0x3;
	v34 =	vld [tilespmem:s20+$0xFFFFFF70];
	v39 =	vadd.s32 v7, v21;
	v18 =	vshll.u32 v18, v1  }
0x68: {  	s25 =	simm.s32 $0x9;
	v40 =	vld [tilespmem:s20+$0xFFFFFF90];
	v41 =	vadd.s32 v9, v20;
	v22 =	vbroadcast v18, $0x0;
	v18 =	vshll.u32 v23, v1;
	[tilespmem:v26+s16+$0x0] =	vst.idx.msk $0xffff, v19  }
0x69: {  	s26 =	simm.s32 $0xA;
	v37 =	vmov s25;
	v25 =	vadd.s32 v16, v25;
	v23 =	vbroadcast v18, $0x0;
	[tilespmem:v28+s16+$0x0] =	vst.idx.msk $0xffff, v27;
	v24 =	vld [tilespmem:s20+$0x0]  }
0x6a: {  	s24 =	simm.s32 $0x8;
	v38 =	vmov s26;
	v35 =	vadd.s32 v4, v30;
	[tilespmem:v31+s16+$0x0] =	vst.idx.msk $0xffff, v29;
	v26 =	vld [tilespmem:s20+$0xFFFFFFB0];
	v27 =	vadd.s32 v11, v22  }
0x6b: {  	s28 =	simm.s32 $0xB;
	s30 =	simm.s32 $0xD;
	v36 =	vadd.s32 v6, v36;
	v19 =	vmov s24;
	[tilespmem:v33+s16+$0x0] =	vst.idx.msk $0xffff, v32;
	v29 =	vld [tilespmem:s20+$0xFFFFFFD0];
	v31 =	vadd.s32 v13, v23  }
0x6c: {  	s29 =	simm.s32 $0xC;
	s31 =	simm.s32 $0xE;
	v18 =	vmov s30;
	v28 =	vmov s28;
	[tilespmem:v39+s16+$0x0] =	vst.idx.msk $0xffff, v34;
	v19 =	vshrl.u32 v19, $0x3;
	v33 =	vld [tilespmem:s20+$0xFFFFFF40]  }
0x6d: {  	s22 =	simm.s32 $0xF;
	s21 =	simm.s32 $0x10;
	v32 =	vmov s29;
	v34 =	vld [tilespmem:s20+$0xFFFFFF60];
	[tilespmem:v41+s16+$0x0] =	vst.idx.msk $0xffff, v40;
	v30 =	vshll.u32 v19, v1;
	v19 =	vmov s31  }
.LBB2_7:
0x6e: {  	p0 =	slt.u32 s21, $0x1F8;
	v37 =	vshrl.u32 v37, $0x3;
	v39 =	vmov s22;
	v40 =	vld [tilespmem:s20+$0xFFFFFF80];
	v21 =	vadd.s32 v8, v21;
	[tilespmem:v25+s16+$0x0] =	vst.idx.msk $0xffff, v24  }
0x6f: {  	v24 =	vshrl.u32 v38, $0x3;
	v20 =	vadd.s32 v10, v20;
	v25 =	vshrl.u32 v39, $0x3;
	v38 =	vld [tilespmem:s20+$0xFFFFFFA0];
	[tilespmem:v27+s16+$0x0] =	vst.idx.msk $0xffff, v26  }
0x70: {  	v22 =	vadd.s32 v12, v22;
	v26 =	vshrl.u32 v28, $0x3;
	v25 =	vshll.u32 v25, v1;
	v27 =	vld [tilespmem:s20+$0xFFFFFFC0];
	[tilespmem:v31+s16+$0x0] =	vst.idx.msk $0xffff, v29  }
0x71: {  	v23 =	vadd.s32 v14, v23;
	v28 =	vshrl.u32 v32, $0x3;
	v25 =	vbroadcast v25, $0x0;
	[tilespmem:v35+s16+$0x0] =	vst.idx.msk $0xffff, v33;
	v29 =	vld [tilespmem:s20+$0xFFFFFFE0]  }
0x72: {  	v31 =	vshll.u32 v37, v1;
	v33 =	vadd.s32 v2, v17;
	v17 =	vbroadcast v30, $0x0;
	v32 =	vld [tilespmem:s20+$0xFFFFFF20];
	[tilespmem:v36+s16+$0x0] =	vst.idx.msk $0xffff, v34;
	s20 =	sadd.s32 $0x100, s20  }
0x73: {  	v24 =	vshll.u32 v24, v1;
	v30 =	vbroadcast v31, $0x0;
	v31 =	vld [tilespmem:s20+$0xFFFFFFF0];
	v34 =	vadd.s32 v15, v25;
	[tilespmem:v21+s16+$0x0] =	vst.idx.msk $0xffff, v40  }
0x74: {  	v39 =	vbroadcast v24, $0x0;
	v36 =	vadd.s32 v0, v17;
	v21 =	vshll.u32 v26, v1;
	v35 =	vld [tilespmem:s20+$0xFFFFFF10];
	[tilespmem:v20+s16+$0x0] =	vst.idx.msk $0xffff, v38  }
0x75: {  	v38 =	vadd.s32 v3, v30;
	v21 =	vbroadcast v21, $0x0;
	v20 =	vshll.u32 v28, v1;
	v26 =	vld [tilespmem:s20+$0xFFFFFF30];
	[tilespmem:v22+s16+$0x0] =	vst.idx.msk $0xffff, v27  }
0x76: {  	v18 =	vshrl.u32 v18, $0x3;
	v41 =	vadd.s32 v5, v39;
	v20 =	vbroadcast v20, $0x0;
	v40 =	vld [tilespmem:s20+$0xFFFFFF50];
	[tilespmem:v23+s16+$0x0] =	vst.idx.msk $0xffff, v29  }
0x77: {  	v19 =	vshrl.u32 v19, $0x3;
	v18 =	vshll.u32 v18, v1;
	v43 =	vadd.s32 v7, v21;
	v42 =	vld [tilespmem:s20+$0xFFFFFF70];
	[tilespmem:v33+s16+$0x0] =	vst.idx.msk $0xffff, v32  }
0x78: {  	v22 =	vbroadcast v18, $0x0;
	v18 =	vshll.u32 v19, v1;
	v45 =	vadd.s32 v9, v20;
	v44 =	vld [tilespmem:s20+$0xFFFFFF90];
	[tilespmem:v34+s16+$0x0] =	vst.idx.msk $0xffff, v31  }
.Ltmp2:
0x79: {  	s22 =	sadd.s32 $0x1, s21;
	v25 =	vadd.s32 v16, v25;
	v19 =	vmov s21;
	v23 =	vbroadcast v18, $0x0;
	[tilespmem:v36+s16+$0x0] =	vst.idx.msk $0xffff, v35;
	v24 =	vld [tilespmem:s20+$0x0];
	(pc) =	sbr.rel @p0 .LBB2_7-.Ltmp2, $4  }
0x7a: {  	s23 =	sadd.s32 $0x3, s21;
	v37 =	vmov s22;
	s22 =	sadd.s32 $0x2, s21;
	v19 =	vshrl.u32 v19, $0x3;
	v27 =	vadd.s32 v11, v22;
	[tilespmem:v38+s16+$0x0] =	vst.idx.msk $0xffff, v26;
	v26 =	vld [tilespmem:s20+$0xFFFFFFB0]  }
0x7b: {  	v28 =	vmov s23;
	s23 =	sadd.s32 $0x5, s21;
	v31 =	vadd.s32 v13, v23;
	v38 =	vmov s22;
	s22 =	sadd.s32 $0x4, s21;
	[tilespmem:v41+s16+$0x0] =	vst.idx.msk $0xffff, v40;
	v29 =	vld [tilespmem:s20+$0xFFFFFFD0]  }
0x7c: {  	v18 =	vmov s23;
	v35 =	vadd.s32 v4, v30;
	v32 =	vmov s22;
	s22 =	sadd.s32 $0x6, s21;
	v33 =	vld [tilespmem:s20+$0xFFFFFF40];
	[tilespmem:v43+s16+$0x0] =	vst.idx.msk $0xffff, v42  }
0x7d: {  	v30 =	vshll.u32 v19, v1;
	v36 =	vadd.s32 v6, v39;
	v19 =	vmov s22;
	s22 =	sadd.s32 $0x7, s21;
	s21 =	sadd.s32 $0x8, s21;
	v34 =	vld [tilespmem:s20+$0xFFFFFF60];
	[tilespmem:v45+s16+$0x0] =	vst.idx.msk $0xffff, v44  }
0x7e: {  	_ =	sdelay $0x2  }
0x7f: {  	v37 =	vshrl.u32 v37, $0x3;
	v39 =	vmov s22  }
0x80: {  	v40 =	vld [tilespmem:s20+$0xFFFFFF80];
	v21 =	vadd.s32 v8, v21;
	[tilespmem:v25+s16+$0x0] =	vst.idx.msk $0xffff, v24;
	v59 =	vshrl.u32 v38, $0x3;
	v20 =	vadd.s32 v10, v20  }
0x81: {  	v61 =	vld [tilespmem:s20+$0xFFFFFFA0];
	v62 =	vshrl.u32 v28, $0x3;
	v22 =	vadd.s32 v12, v22;
	v63 =	vshrl.u32 v32, $0x3;
	[tilespmem:v27+s16+$0x0] =	vst.idx.msk $0xffff, v26  }
0x82: {  	v23 =	vadd.s32 v14, v23;
	v30 =	vbroadcast v30, $0x0;
	v41 =	vld [tilespmem:s20+$0xFFFFFF20];
	v17 =	vadd.s32 v2, v17;
	[tilespmem:v31+s16+$0x0] =	vst.idx.msk $0xffff, v29  }
0x83: {  	s31 =	sadd.s32 $0x100, s20;
	v18 =	vshrl.u32 v18, $0x3;
	v60 =	vshrl.u32 v39, $0x3;
	v39 =	vshll.u32 v37, v1;
	v27 =	vld [tilespmem:s20+$0xFFFFFFC0];
	[tilespmem:v35+s16+$0x0] =	vst.idx.msk $0xffff, v33  }
0x84: {  	v24 =	vshll.u32 v59, v1;
	v44 =	vld [tilespmem:s31+$0xFFFFFF10];
	v31 =	vbroadcast v39, $0x0;
	v45 =	vadd.s32 v0, v30;
	[tilespmem:v36+s16+$0x0] =	vst.idx.msk $0xffff, v34  }
0x85: {  	v19 =	vshrl.u32 v19, $0x3;
	v26 =	vshll.u32 v62, v1;
	v24 =	vbroadcast v24, $0x0;
	v29 =	vld [tilespmem:s20+$0xFFFFFFE0];
	[tilespmem:v21+s16+$0x0] =	vst.idx.msk $0xffff, v40  }
0x86: {  	v46 =	vld [tilespmem:s31+$0xFFFFFF30];
	v18 =	vshll.u32 v18, v1;
	v26 =	vbroadcast v26, $0x0;
	v47 =	vadd.s32 v3, v31;
	[tilespmem:v20+s16+$0x0] =	vst.idx.msk $0xffff, v61  }
0x87: {  	v48 =	vld [tilespmem:s31+$0xFFFFFF50];
	v19 =	vshll.u32 v19, v1;
	v18 =	vbroadcast v18, $0x0;
	v49 =	vadd.s32 v5, v24;
	[tilespmem:v17+s16+$0x0] =	vst.idx.msk $0xffff, v41  }
0x88: {  	v28 =	vshll.u32 v63, v1;
	v50 =	vld [tilespmem:s31+$0xFFFFFF70];
	v19 =	vbroadcast v19, $0x0;
	v51 =	vadd.s32 v7, v26;
	[tilespmem:v22+s16+$0x0] =	vst.idx.msk $0xffff, v27  }
0x89: {  	v54 =	vld [tilespmem:s31+$0xFFFFFFB0];
	v25 =	vshll.u32 v60, v1;
	v28 =	vbroadcast v28, $0x0;
	v55 =	vadd.s32 v11, v18;
	[tilespmem:v45+s16+$0x0] =	vst.idx.msk $0xffff, v44  }
0x8a: {  	v56 =	vld [tilespmem:s31+$0xFFFFFFD0];
	v25 =	vbroadcast v25, $0x0;
	v57 =	vadd.s32 v13, v19;
	[tilespmem:v23+s16+$0x0] =	vst.idx.msk $0xffff, v29  }
0x8b: {  	v52 =	vadd.s32 v9, v28;
	v17 =	vld [tilespmem:s31+$0xFFFFFF90];
	[tilespmem:v47+s16+$0x0] =	vst.idx.msk $0xffff, v46  }
0x8c: {  	v42 =	vld [tilespmem:s31+$0xFFFFFFF0];
	v43 =	vadd.s32 v15, v25;
	[tilespmem:v49+s16+$0x0] =	vst.idx.msk $0xffff, v48  }
0x8d: {  	v63 =	vadd.s32 v2, v30;
	v62 =	vld [tilespmem:s31+$0xFFFFFF20];
	[tilespmem:v51+s16+$0x0] =	vst.idx.msk $0xffff, v50  }
0x8e: {  	v31 =	vadd.s32 v4, v31;
	[tilespmem:v55+s16+$0x0] =	vst.idx.msk $0xffff, v54;
	v58 =	vld [tilespmem:s31+$0xFFFFFF40]  }
0x8f: {  	v24 =	vadd.s32 v6, v24;
	[tilespmem:v57+s16+$0x0] =	vst.idx.msk $0xffff, v56;
	v59 =	vld [tilespmem:s31+$0xFFFFFF60]  }
0x90: {  	v26 =	vadd.s32 v8, v26;
	[tilespmem:v52+s16+$0x0] =	vst.idx.msk $0xffff, v17;
	v17 =	vld [tilespmem:s31+$0xFFFFFF80]  }
0x91: {  	v18 =	vadd.s32 v12, v18;
	[tilespmem:v43+s16+$0x0] =	vst.idx.msk $0xffff, v42;
	v20 =	vld [tilespmem:s31+$0xFFFFFFC0]  }
0x92: {  	v19 =	vadd.s32 v14, v19;
	v22 =	vld [tilespmem:s31+$0xFFFFFFE0];
	[tilespmem:v63+s16+$0x0] =	vst.idx.msk $0xffff, v62  }
0x93: {  	v25 =	vadd.s32 v16, v25;
	v53 =	vld [tilespmem:s31+$0x0];
	[tilespmem:v31+s16+$0x0] =	vst.idx.msk $0xffff, v58  }
0x94: {  	v61 =	vadd.s32 v10, v28;
	v60 =	vld [tilespmem:s31+$0xFFFFFFA0];
	[tilespmem:v24+s16+$0x0] =	vst.idx.msk $0xffff, v59  }
0x95: {  	s19 =	sshll.u32 s19, $0x13;
	[tilespmem:v26+s16+$0x0] =	vst.idx.msk $0xffff, v17  }
0x96: {  	s19 =	sor.u32 s4, s19;
	[tilespmem:v18+s16+$0x0] =	vst.idx.msk $0xffff, v20  }
0x97: {  	s19 =	sshrl.u32 s19, $0x3;
	[tilespmem:v19+s16+$0x0] =	vst.idx.msk $0xffff, v22  }
0x98: {  	s21 =	simm.s32 $0x800;
	s19 =	sadd.s32 s5, s19;
	[tilespmem:v25+s16+$0x0] =	vst.idx.msk $0xffff, v53  }
0x99: {  	s22 =	simm.s32 $0x12708;
	s20 =	simm.s32 $0x12500;
	s23 =	sadd.s32 $0x0, s19;
	[tilespmem:v61+s16+$0x0] =	vst.idx.msk $0xffff, v60  }
.LBB2_9:
0x9a: {  	[hbm4b:s23+s2] =	stream.linear.scatter [tilespmem:s20], [sflag:$0x2], $0x200, $0x38;
	[tilespmem:$0x16600] =	vst v63  }
0x9b: {  	s23 =	smov.u32 s21;
	s20 =	smov.u32 s22;
	p0 =	sne.s32 s21, $0xF800  }
.Ltmp3:
0x9c: {  	s21 =	sadd.s32 $0x800, s21;
	(pc) =	sbr.rel @p0 .LBB2_9-.Ltmp3, $2  }
0x9d: {  	_ =	sdelay $0x2  }
0x9e: {  	s22 =	sadd.s32 $0x208, s22;
	s23 =	sadd.s32 s23, s19  }
0x9f: {  	s18 =	sadd.s32 $0x1, s18  }
0xa0: {  	p0 =	sne.s32 s18, $0x19  }
.Ltmp4:
0xa1: {  	_ = 	snop;
	(pc) =	sbr.rel @p0 .LBB2_2-.Ltmp4, $2  }
0xa2: {  	_ =	sdelay $0x2  }
0xa3: {  	[hbm4b:s23+s2] =	stream.linear.scatter [tilespmem:s20], [sflag:$0x2], $0x200, $0x38;
	[tilespmem:$0x16600] =	vst v63  }
0xa4: {  	s17 =	sadd.s32 $0x1, s17  }
0xa5: {  	p0 =	sne.s32 s17, s7  }
.Ltmp5:
0xa6: {  	_ = 	snop;
	(pc) =	sbr.rel @p0 .LBB2_1-.Ltmp5, $4  }
0xa7: {  	_ = 	snop  }
0xa8: {  	_ =	swait.ge [sflag:s15], $0x4000  }
0xa9: {  	[sflag:s15] =	ssyncset.done $0x0  }
0xaa: {  	[sflag:s15] =	ssyncadd.s32 $0xFFFFC000  }
0xab: {  	_ =	sfence.sel $0x180000  }
0xac: {  	[bflag:$0x0] =	sbarrier.arrive $0xFFFF  }
0xad: {  	p0 =	sne.s32 s1, $0x0;
	_ =	strace $0x90000047  }
0xae: {  	s0 =	sadd.s32 @!p0 $0x100000, s0;
	[bflag:$0x2] =	sbarrier.arrive $0xFFFF  }
0xaf: {  	[sflag:s0] =	ssyncadd.tile.s32 @!p0 $0x1;
	_ =	shalt  }
.Lfunc_end2:
_tile_overlayer_lowered:
.L_overlay_start_2:
0xb0: {  	(tag) =	ssettag $0x2  }
0xb1: {  	s0 =	rddreg [dreg:$0x0];
	s2 =	stileid.u32  }
0xb2: {  	s1 =	rddreg [dreg:$0x1];
	p0 =	sne.s32 s2, $0x0  }
0xb3: {  	s3 =	rddreg [dreg:$0x2];
	[bflag:$0x3] =	sbarrier.arrive $0xFFFF;
	s2 =	simm.s32 @!p0 $0x1C03  }
0xb4: {  	[timem:s3], [sflag:s2] =	dma.local @!p0 [hbm:s0], s1  }
0xb5: {  	s0 =	simm.s32 @!p0 $0x3  }
0xb6: {  	_ =	swait.ge @!p0 [sflag:s0], s1  }
0xb7: {  	s1 =	ssub.s32 @!p0 $0x0, s1;
	[sflag:s0] =	ssyncset.done @!p0 $0x0  }
0xb8: {  	[sflag:s0] =	ssyncadd.s32 @!p0 s1  }
0xb9: {  	[bflag:$0x3] =	sbarrier.arrive $0xFFFF  }
0xba: {  	_ =	shalt  }

</sc_bundles>
